<compile_context>
chip_gen: v7x
topology: tpu7x:2x2x1
jax: 0.10.2.dev20260603
libtpu: 0.0.44.dev20260713+nightly
codegen_flags: <defaults>
</compile_context>

<pallas_src>
import functools

import jax
import jax.numpy as jnp
from jax import lax
from jax.experimental import pallas as pl
from jax.experimental.pallas import tpu as pltpu
from jax.experimental.pallas import tpu_sc as plsc

N = 10000
D = 128
DH = 64
E = 320000
HD = 256
NCLS = 10
R = 64

NC = 2
NS = 16
CH = 128
EPT = E // NS
WIN = 52
NWIN = 3
TAIL = EPT - NWIN * WIN * CH
RPT = 632
NPAD = NS * RPT
SPT = 625

ROWS = 1000
GRID = N // ROWS




def _sc_gather_scatter(h, ei, zrows):
    mesh = plsc.VectorSubcoreMesh(core_axis_name="c", subcore_axis_name="s")

    @functools.partial(
        pl.kernel,
        out_type=jax.ShapeDtypeStruct((NPAD, D), jnp.float32),
        mesh=mesh,
        compiler_params=pltpu.CompilerParams(use_tc_tiling_on_sc=False),
        scratch_types=[
            pltpu.VMEM((2, WIN * CH), jnp.int32),
            pltpu.VMEM((2, WIN * CH), jnp.int32),
            pltpu.VMEM((2, CH, DH), jnp.float32),
            pltpu.VMEM_SHARED((N, DH), jnp.float32),
            pltpu.VMEM_SHARED((NPAD, DH), jnp.float32),
            pltpu.SemaphoreType.DMA,
            pltpu.SemaphoreType.DMA,
            pltpu.SemaphoreType.DMA,
        ],
    )
    def g(h_hbm, ei_hbm, z_hbm, out_hbm,
          srcw, dstw, buf, hsp, agg, sem0, sem1, isem):
        c = lax.axis_index("c")
        s = lax.axis_index("s")
        base = s * EPT
        pltpu.async_copy(ei_hbm.at[0, pl.ds(base, WIN * CH)], srcw.at[0],
                         isem)
        pltpu.async_copy(ei_hbm.at[1, pl.ds(base, WIN * CH)], dstw.at[0],
                         isem)
        pltpu.async_copy(h_hbm.at[pl.ds(s * SPT, SPT), pl.ds(c * DH, DH)],
                         hsp.at[pl.ds(s * SPT, SPT)], sem0)
        pltpu.async_copy(z_hbm.at[:, pl.ds(0, DH)],
                         agg.at[pl.ds(s * RPT, RPT)], sem1)
        pltpu.make_async_copy(h_hbm.at[pl.ds(s * SPT, SPT), pl.ds(c * DH, DH)],
                              hsp.at[pl.ds(s * SPT, SPT)], sem0).wait()
        pltpu.make_async_copy(z_hbm.at[:, pl.ds(0, DH)],
                              agg.at[pl.ds(s * RPT, RPT)], sem1).wait()
        plsc.subcore_barrier()

        sems = (sem0, sem1)

        def window(w, carry):
            wsl = lax.rem(w, 2)
            pltpu.make_async_copy(ei_hbm.at[0, pl.ds(base, WIN * CH)],
                                  srcw.at[wsl], isem).wait()
            pltpu.make_async_copy(ei_hbm.at[1, pl.ds(base, WIN * CH)],
                                  dstw.at[wsl], isem).wait()
            pltpu.async_copy(hsp.at[srcw.at[wsl, pl.ds(0, CH)]], buf.at[0],
                             sem0)
            pltpu.async_copy(hsp.at[srcw.at[wsl, pl.ds(CH, CH)]], buf.at[1],
                             sem1)

            @pl.when(w + 1 < NWIN)
            def _():
                nb = base + (w + 1) * WIN * CH
                pltpu.async_copy(ei_hbm.at[0, pl.ds(nb, WIN * CH)],
                                 srcw.at[1 - wsl], isem)
                pltpu.async_copy(ei_hbm.at[1, pl.ds(nb, WIN * CH)],
                                 dstw.at[1 - wsl], isem)

            def pair(i, c2):
                ci = 2 * i
                for b in (0, 1):
                    cj = ci + b
                    pltpu.make_async_copy(
                        hsp.at[srcw.at[wsl, pl.ds(cj * CH, CH)]], buf.at[b],
                        sems[b]).wait()
                    pltpu.sync_copy(buf.at[b],
                                    agg.at[dstw.at[wsl, pl.ds(cj * CH, CH)]],
                                    add=True)
                    pltpu.async_copy(
                        hsp.at[srcw.at[wsl, pl.ds((cj + 2) * CH, CH)]],
                        buf.at[b], sems[b])
                return c2

            lax.fori_loop(0, WIN // 2 - 1, pair, 0)
            for b in (0, 1):
                cj = WIN - 2 + b
                pltpu.make_async_copy(
                    hsp.at[srcw.at[wsl, pl.ds(cj * CH, CH)]], buf.at[b],
                    sems[b]).wait()
                pltpu.sync_copy(buf.at[b],
                                agg.at[dstw.at[wsl, pl.ds(cj * CH, CH)]],
                                add=True)
            return carry

        lax.fori_loop(0, NWIN, window, 0)

        pltpu.sync_copy(ei_hbm.at[0, pl.ds(base + NWIN * WIN * CH, TAIL)],
                        srcw.at[0, pl.ds(0, TAIL)])
        pltpu.sync_copy(ei_hbm.at[1, pl.ds(base + NWIN * WIN * CH, TAIL)],
                        dstw.at[0, pl.ds(0, TAIL)])
        pltpu.sync_copy(hsp.at[srcw.at[0, pl.ds(0, TAIL)]],
                        buf.at[0, pl.ds(0, TAIL)])
        pltpu.sync_copy(buf.at[0, pl.ds(0, TAIL)],
                        agg.at[dstw.at[0, pl.ds(0, TAIL)]], add=True)

        plsc.subcore_barrier()
        pltpu.sync_copy(agg.at[pl.ds(s * RPT, RPT)],
                        out_hbm.at[pl.ds(s * RPT, RPT), pl.ds(c * DH, DH)])

    return g(h, ei, zrows)




def _embed_body(x_ref, emb_ref, out_ref):
    xv = x_ref[0, 0, :]
    oh = (xv[:, None] == lax.broadcasted_iota(jnp.int32, (ROWS, 16), 1))
    out_ref[...] = jnp.dot(oh.astype(jnp.float32), emb_ref[...],
                           preferred_element_type=jnp.float32)


def _tc_embed(x3, emb16):
    return pl.pallas_call(
        _embed_body,
        grid=(GRID,),
        in_specs=[pl.BlockSpec((1, 1, ROWS), lambda i: (i, 0, 0)),
                  pl.BlockSpec((16, D), lambda i: (0, 0))],
        out_specs=pl.BlockSpec((ROWS, D), lambda i: (i, 0)),
        out_shape=jax.ShapeDtypeStruct((N, D), jnp.float32),
    )(x3, emb16)


def _linear_body(h_ref, w_ref, b_ref, out_ref):
    out_ref[...] = jnp.dot(h_ref[...], w_ref[...],
                           preferred_element_type=jnp.float32) + b_ref[...]


def _tc_linear(h, w, b2d):
    return pl.pallas_call(
        _linear_body,
        grid=(GRID,),
        in_specs=[pl.BlockSpec((ROWS, D), lambda i: (i, 0)),
                  pl.BlockSpec((D, D), lambda i: (0, 0)),
                  pl.BlockSpec((1, D), lambda i: (0, 0))],
        out_specs=pl.BlockSpec((ROWS, D), lambda i: (i, 0)),
        out_shape=jax.ShapeDtypeStruct((N, D), jnp.float32),
    )(h, w, b2d)


def _update_body(agg_ref, p_ref, w_ref, out_ref):
    out_ref[...] = jnp.maximum(
        jnp.dot(agg_ref[...], w_ref[...], preferred_element_type=jnp.float32)
        + p_ref[...], 0.0)


def _tc_update(agg, p, w):
    return pl.pallas_call(
        _update_body,
        grid=(GRID,),
        in_specs=[pl.BlockSpec((ROWS, D), lambda i: (i, 0)),
                  pl.BlockSpec((ROWS, D), lambda i: (i, 0)),
                  pl.BlockSpec((D, D), lambda i: (0, 0))],
        out_specs=pl.BlockSpec((ROWS, D), lambda i: (i, 0)),
        out_shape=jax.ShapeDtypeStruct((N, D), jnp.float32),
    )(agg, p, w)


def _readout_body(h_ref, r_ref, w1_ref, b1_ref, w2_ref, b2_ref,
                  w3_ref, b3_ref, out_ref, acc_ref):
    i = pl.program_id(0)

    @pl.when(i == 0)
    def _():
        acc_ref[...] = jnp.zeros_like(acc_ref)

    roots = r_ref[0, 0, :]
    col = lax.broadcasted_iota(jnp.int32, (R, ROWS), 1) + i * ROWS
    oh = (roots[:, None] == col).astype(jnp.float32)
    acc_ref[...] += jnp.dot(oh, h_ref[...], preferred_element_type=jnp.float32)

    @pl.when(i == pl.num_programs(0) - 1)
    def _():
        z = jnp.maximum(
            jnp.dot(acc_ref[...], w1_ref[...],
                    preferred_element_type=jnp.float32) + b1_ref[...], 0.0)
        z = jnp.maximum(
            jnp.dot(z, w2_ref[...],
                    preferred_element_type=jnp.float32) + b2_ref[...], 0.0)
        out_ref[...] = jnp.dot(z, w3_ref[...],
                               preferred_element_type=jnp.float32) + b3_ref[...]


def _tc_readout(h, roots3, w1, b1_2d, w2, b2_2d, w3p, b3p):
    return pl.pallas_call(
        _readout_body,
        grid=(GRID,),
        in_specs=[pl.BlockSpec((ROWS, D), lambda i: (i, 0)),
                  pl.BlockSpec((1, 1, R), lambda i: (0, 0, 0)),
                  pl.BlockSpec((D, HD), lambda i: (0, 0)),
                  pl.BlockSpec((1, HD), lambda i: (0, 0)),
                  pl.BlockSpec((HD, HD), lambda i: (0, 0)),
                  pl.BlockSpec((1, HD), lambda i: (0, 0)),
                  pl.BlockSpec((HD, D), lambda i: (0, 0)),
                  pl.BlockSpec((1, D), lambda i: (0, 0))],
        out_specs=pl.BlockSpec((R, D), lambda i: (0, 0)),
        out_shape=jax.ShapeDtypeStruct((R, D), jnp.float32),
        scratch_shapes=[pltpu.VMEM((R, D), jnp.float32)],
    )(h, roots3, w1, b1_2d, w2, b2_2d, w3p, b3p)




def kernel(x, edge_index, root_ids, Emb, W_msg, W_upd, b_upd,
           W1, b1, W2, b2, W3, b3):
    x3 = x.astype(jnp.int32).reshape(GRID, 1, ROWS)
    ei = edge_index.astype(jnp.int32)
    zrows = jnp.zeros((RPT, D), jnp.float32)
    emb16 = jnp.zeros((16, D), jnp.float32).at[:Emb.shape[0]].set(Emb)
    bu2d = b_upd.reshape(1, D)

    h = _tc_embed(x3, emb16)
    for _ in range(2):
        p = _tc_linear(h, W_upd, bu2d)
        agg = _sc_gather_scatter(h, ei, zrows)
        h = _tc_update(agg, p, W_msg)

    roots3 = root_ids.astype(jnp.int32).reshape(1, 1, R)
    w3p = jnp.zeros((HD, D), jnp.float32).at[:, :NCLS].set(W3)
    b3p = jnp.zeros((1, D), jnp.float32).at[0, :NCLS].set(b3)
    out = _tc_readout(h, roots3, W1, b1.reshape(1, HD), W2,
                      b2.reshape(1, HD), w3p, b3p)
    return out[:, :NCLS]

# --- scband reference (transcript-rebuilt; emitter-appended) ---
"""Pipeline reference for scband-list-ops-model-35218731828094 (READ-ONLY COPY).

The authoritative reference and input builder live on the scoring server;
editing this copy changes nothing except your own understanding.
"""

import jax, jax.numpy as jnp
import numpy as np

N = 10000      # nodes
E = 320000     # edges
D = 128        # x_size == h_size
H = 256        # mlp_h_size
V = 10         # num_vocabs (ListOps digits)
R = 64         # number of tree roots in batch
NUM_CLASSES = 10
STEPS = 2      # message-passing rounds of the tree model


def setup_inputs(seed: int = 0) -> dict:
    key = jax.random.key(seed)
    ks = jax.random.split(key, 14)
    x = jax.random.randint(ks[0], (N,), 0, V)
    edge_index = jax.random.randint(ks[1], (2, E), 0, N)
    root_ids = jax.random.randint(ks[2], (R,), 0, N)
    Emb = jax.random.normal(ks[3], (V, D), dtype=jnp.float32) * 0.02
    W_msg = jax.random.normal(ks[4], (D, D), dtype=jnp.float32) / np.sqrt(D)
    W_upd = jax.random.normal(ks[5], (D, D), dtype=jnp.float32) / np.sqrt(D)
    b_upd = jnp.zeros((D,), dtype=jnp.float32)
    W1 = jax.random.normal(ks[6], (D, H), dtype=jnp.float32) / np.sqrt(D)
    b1 = jnp.zeros((H,), dtype=jnp.float32)
    W2 = jax.random.normal(ks[7], (H, H), dtype=jnp.float32) / np.sqrt(H)
    b2 = jnp.zeros((H,), dtype=jnp.float32)
    W3 = jax.random.normal(ks[8], (H, NUM_CLASSES), dtype=jnp.float32) / np.sqrt(H)
    b3 = jnp.zeros((NUM_CLASSES,), dtype=jnp.float32)
    return {
        'x': x, 'edge_index': edge_index, 'root_ids': root_ids,
        'Emb': Emb, 'W_msg': W_msg, 'W_upd': W_upd, 'b_upd': b_upd,
        'W1': W1, 'b1': b1, 'W2': W2, 'b2': b2, 'W3': W3, 'b3': b3,
    }


def reference(x, edge_index, root_ids, Emb, W_msg, W_upd, b_upd,
              W1, b1, W2, b2, W3, b3):
    # input_module: nn.Embedding(num_vocabs, x_size)
    h = jnp.take(Emb, x, axis=0)                      # [N, D] gather
    src = edge_index[0]
    dst = edge_index[1]
    # tree_model: sum-aggregator message passing (child -> parent edges)
    for _ in range(STEPS):
        msg = jnp.take(h, src, axis=0) @ W_msg        # gather + dense
        agg = jax.ops.segment_sum(msg, dst, num_segments=N)  # scatter-add
        h = jax.nn.relu(agg + h @ W_upd + b_upd)
    # root selection: nodes with out_degree == 0 (precomputed root_ids)
    h_root = jnp.take(h, root_ids, axis=0)            # [R, D]
    # ListOpsComparisonModule: l3(relu(l2(relu(l1(h_root)))))
    z = jax.nn.relu(h_root @ W1 + b1)
    z = jax.nn.relu(z @ W2 + b2)
    return z @ W3 + b3                                # [R, NUM_CLASSES]

if __name__ == "__main__":
    import jax
    _d = setup_inputs()
    print(jax.jit(kernel)(*tuple(_d.values())))

</pallas_src>

<mosaic_0001>
#map = affine_map<(d0, d1) -> (0, 0)>
module attributes {stable_mosaic.version = 14 : i64} {
  func.func @g(%arg0: i32, %arg1: i32, %arg2: memref<10000x128xf32, #tpu.memory_space<hbm>>, %arg3: memref<2x320000xi32, #tpu.memory_space<hbm>>, %arg4: memref<632x128xf32, #tpu.memory_space<hbm>>, %arg5: memref<10112x128xf32, #tpu.memory_space<hbm>>, %arg6: memref<2x6656xi32, #tpu.memory_space<vmem>>, %arg7: memref<2x6656xi32, #tpu.memory_space<vmem>>, %arg8: memref<2x128x64xf32, #tpu.memory_space<vmem>>, %arg9: memref<10000x64xf32, #tpu.memory_space<vmem_shared>>, %arg10: memref<10112x64xf32, #tpu.memory_space<vmem_shared>>, %arg11: memref<!tpu.dma_semaphore, #tpu.memory_space<semaphore_mem>>, %arg12: memref<!tpu.dma_semaphore, #tpu.memory_space<semaphore_mem>>, %arg13: memref<!tpu.dma_semaphore, #tpu.memory_space<semaphore_mem>>) attributes {dimension_semantics = [#tpu.dimension_semantics<core_parallel>, #tpu.dimension_semantics<subcore_parallel>], iteration_bounds = array<i64: 2, 16>, scalar_prefetch = 0 : i64, scratch_operands = 8 : i64, tpu.core_type = #tpu.core_type<sc_vector_subcore>, window_params = [{transform_indices = #map}, {transform_indices = #map}, {transform_indices = #map}, {transform_indices = #map}]} {
    %mul3A = arith.constant 20000 : i32
    %mul3A_0 = arith.muli %arg1, %mul3A : i32
    %dma_start3A = arith.constant 0 : i32
    %dma_start3A_1 = arith.constant 0 : i32
    %dma_start3A_2 = arith.constant 0 : i32
    %dma_start3A_3 = tpu.memref_slice %arg6[%dma_start3A_1, %dma_start3A_2] : memref<2x6656xi32, #tpu.memory_space<vmem>> -> memref<1x6656xi32, #tpu.memory_space<vmem>>
    %dma_start3A_4 = tpu.memref_squeeze %dma_start3A_3 : memref<1x6656xi32, #tpu.memory_space<vmem>> -> memref<6656xi32, #tpu.memory_space<vmem>>
    %dma_start3A_5 = tpu.memref_slice %arg3[%dma_start3A, %mul3A_0] : memref<2x320000xi32, #tpu.memory_space<hbm>> -> memref<1x6656xi32, #tpu.memory_space<hbm>>
    %dma_start3A_6 = tpu.memref_squeeze %dma_start3A_5 : memref<1x6656xi32, #tpu.memory_space<hbm>> -> memref<6656xi32, #tpu.memory_space<hbm>>
    %dma_start3A_7 = arith.constant 0 : i32
    %dma_start3A_8 = tpu.memref_slice %arg6[%dma_start3A_1, %dma_start3A_7] : memref<2x6656xi32, #tpu.memory_space<vmem>> -> memref<1x6656xi32, #tpu.memory_space<vmem>>
    %dma_start3A_9 = tpu.memref_squeeze %dma_start3A_8 : memref<1x6656xi32, #tpu.memory_space<vmem>> -> memref<6656xi32, #tpu.memory_space<vmem>>
    %dma_start3A_10 = tpu.memref_slice %arg3[%dma_start3A, %mul3A_0] : memref<2x320000xi32, #tpu.memory_space<hbm>> -> memref<1x6656xi32, #tpu.memory_space<hbm>>
    %dma_start3A_11 = tpu.memref_squeeze %dma_start3A_10 : memref<1x6656xi32, #tpu.memory_space<hbm>> -> memref<6656xi32, #tpu.memory_space<hbm>>
    tpu.enqueue_dma source(%dma_start3A_11 : memref<6656xi32, #tpu.memory_space<hbm>>) target(%dma_start3A_9 : memref<6656xi32, #tpu.memory_space<vmem>>) target_semaphore(%arg13 : memref<!tpu.dma_semaphore, #tpu.memory_space<semaphore_mem>>)
    %dma_start3A_12 = arith.constant 1 : i32
    %dma_start3A_13 = arith.constant 0 : i32
    %dma_start3A_14 = arith.constant 0 : i32
    %dma_start3A_15 = tpu.memref_slice %arg7[%dma_start3A_13, %dma_start3A_14] : memref<2x6656xi32, #tpu.memory_space<vmem>> -> memref<1x6656xi32, #tpu.memory_space<vmem>>
    %dma_start3A_16 = tpu.memref_squeeze %dma_start3A_15 : memref<1x6656xi32, #tpu.memory_space<vmem>> -> memref<6656xi32, #tpu.memory_space<vmem>>
    %dma_start3A_17 = tpu.memref_slice %arg3[%dma_start3A_12, %mul3A_0] : memref<2x320000xi32, #tpu.memory_space<hbm>> -> memref<1x6656xi32, #tpu.memory_space<hbm>>
    %dma_start3A_18 = tpu.memref_squeeze %dma_start3A_17 : memref<1x6656xi32, #tpu.memory_space<hbm>> -> memref<6656xi32, #tpu.memory_space<hbm>>
    %dma_start3A_19 = arith.constant 0 : i32
    %dma_start3A_20 = tpu.memref_slice %arg7[%dma_start3A_13, %dma_start3A_19] : memref<2x6656xi32, #tpu.memory_space<vmem>> -> memref<1x6656xi32, #tpu.memory_space<vmem>>
    %dma_start3A_21 = tpu.memref_squeeze %dma_start3A_20 : memref<1x6656xi32, #tpu.memory_space<vmem>> -> memref<6656xi32, #tpu.memory_space<vmem>>
    %dma_start3A_22 = tpu.memref_slice %arg3[%dma_start3A_12, %mul3A_0] : memref<2x320000xi32, #tpu.memory_space<hbm>> -> memref<1x6656xi32, #tpu.memory_space<hbm>>
    %dma_start3A_23 = tpu.memref_squeeze %dma_start3A_22 : memref<1x6656xi32, #tpu.memory_space<hbm>> -> memref<6656xi32, #tpu.memory_space<hbm>>
    tpu.enqueue_dma source(%dma_start3A_23 : memref<6656xi32, #tpu.memory_space<hbm>>) target(%dma_start3A_21 : memref<6656xi32, #tpu.memory_space<vmem>>) target_semaphore(%arg13 : memref<!tpu.dma_semaphore, #tpu.memory_space<semaphore_mem>>)
    %mul3A_24 = arith.constant 625 : i32
    %mul3A_25 = arith.muli %arg1, %mul3A_24 : i32
    %mul3A_26 = arith.constant 64 : i32
    %mul3A_27 = arith.muli %arg0, %mul3A_26 : i32
    %mul3A_28 = arith.constant 625 : i32
    %mul3A_29 = arith.muli %arg1, %mul3A_28 : i32
    %dma_start3A_30 = arith.constant 0 : i32
    %dma_start3A_31 = tpu.memref_slice %arg9[%mul3A_29, %dma_start3A_30] : memref<10000x64xf32, #tpu.memory_space<vmem_shared>> -> memref<625x64xf32, #tpu.memory_space<vmem_shared>>
    %dma_start3A_32 = tpu.memref_slice %arg2[%mul3A_25, %mul3A_27] : memref<10000x128xf32, #tpu.memory_space<hbm>> -> memref<625x64xf32, #tpu.memory_space<hbm>>
    tpu.enqueue_dma source(%dma_start3A_32 : memref<625x64xf32, #tpu.memory_space<hbm>>) target(%dma_start3A_31 : memref<625x64xf32, #tpu.memory_space<vmem_shared>>) target_semaphore(%arg11 : memref<!tpu.dma_semaphore, #tpu.memory_space<semaphore_mem>>)
    %mul3A_33 = arith.constant 632 : i32
    %mul3A_34 = arith.muli %arg1, %mul3A_33 : i32
    %dma_start3A_35 = arith.constant 0 : i32
    %dma_start3A_36 = tpu.memref_slice %arg10[%mul3A_34, %dma_start3A_35] : memref<10112x64xf32, #tpu.memory_space<vmem_shared>> -> memref<632x64xf32, #tpu.memory_space<vmem_shared>>
    %dma_start3A_37 = arith.constant 0 : i32
    %dma_start3A_38 = arith.constant 0 : i32
    %dma_start3A_39 = tpu.memref_slice %arg4[%dma_start3A_37, %dma_start3A_38] : memref<632x128xf32, #tpu.memory_space<hbm>> -> memref<632x64xf32, #tpu.memory_space<hbm>>
    tpu.enqueue_dma source(%dma_start3A_39 : memref<632x64xf32, #tpu.memory_space<hbm>>) target(%dma_start3A_36 : memref<632x64xf32, #tpu.memory_space<vmem_shared>>) target_semaphore(%arg12 : memref<!tpu.dma_semaphore, #tpu.memory_space<semaphore_mem>>)
    %mul3A_40 = arith.constant 625 : i32
    %mul3A_41 = arith.muli %arg1, %mul3A_40 : i32
    %mul3A_42 = arith.constant 64 : i32
    %mul3A_43 = arith.muli %arg0, %mul3A_42 : i32
    %mul3A_44 = arith.constant 625 : i32
    %mul3A_45 = arith.muli %arg1, %mul3A_44 : i32
    %dma_wait3A = arith.constant 0 : i32
    %dma_wait3A_46 = tpu.memref_slice %arg9[%mul3A_45, %dma_wait3A] : memref<10000x64xf32, #tpu.memory_space<vmem_shared>> -> memref<625x64xf32, #tpu.memory_space<vmem_shared>>
    %dma_wait3A_47 = tpu.memref_slice %arg2[%mul3A_41, %mul3A_43] : memref<10000x128xf32, #tpu.memory_space<hbm>> -> memref<625x64xf32, #tpu.memory_space<hbm>>
    tpu.wait_dma2 semaphore(%arg11 : memref<!tpu.dma_semaphore, #tpu.memory_space<semaphore_mem>>) src(%dma_wait3A_47 : memref<625x64xf32, #tpu.memory_space<hbm>>) dst(%dma_wait3A_46 : memref<625x64xf32, #tpu.memory_space<vmem_shared>>)
    %mul3A_48 = arith.constant 632 : i32
    %mul3A_49 = arith.muli %arg1, %mul3A_48 : i32
    %dma_wait3A_50 = arith.constant 0 : i32
    %dma_wait3A_51 = tpu.memref_slice %arg10[%mul3A_49, %dma_wait3A_50] : memref<10112x64xf32, #tpu.memory_space<vmem_shared>> -> memref<632x64xf32, #tpu.memory_space<vmem_shared>>
    %dma_wait3A_52 = arith.constant 0 : i32
    %dma_wait3A_53 = arith.constant 0 : i32
    %dma_wait3A_54 = tpu.memref_slice %arg4[%dma_wait3A_52, %dma_wait3A_53] : memref<632x128xf32, #tpu.memory_space<hbm>> -> memref<632x64xf32, #tpu.memory_space<hbm>>
    tpu.wait_dma2 semaphore(%arg12 : memref<!tpu.dma_semaphore, #tpu.memory_space<semaphore_mem>>) src(%dma_wait3A_54 : memref<632x64xf32, #tpu.memory_space<hbm>>) dst(%dma_wait3A_51 : memref<632x64xf32, #tpu.memory_space<vmem_shared>>)
    %barrier3A = arith.constant 0 : index
    tpu.barrier barrier_id(%barrier3A)
    %scan3A = arith.constant 0 : i32
    %scan3A_55 = arith.constant 0 : i32
    %scan3A_56 = arith.constant 3 : i32
    %scan3A_57 = arith.addi %scan3A_55, %scan3A_56 : i32
    %scan3A_58 = arith.constant 1 : i32
    scf.for %scan3A_77 = %scan3A_55 to %scan3A_57 step %scan3A_58  : i32 {
      %rem3A = arith.constant 2 : i32
      %rem3A_78 = arith.remsi %scan3A_77, %rem3A : i32
      %dma_wait3A_79 = arith.constant 0 : i32
      %dma_wait3A_80 = arith.constant 0 : i32
      %dma_wait3A_81 = tpu.memref_slice %arg6[%rem3A_78, %dma_wait3A_80] : memref<2x6656xi32, #tpu.memory_space<vmem>> -> memref<1x6656xi32, #tpu.memory_space<vmem>>
      %dma_wait3A_82 = tpu.memref_squeeze %dma_wait3A_81 : memref<1x6656xi32, #tpu.memory_space<vmem>> -> memref<6656xi32, #tpu.memory_space<vmem>>
      %dma_wait3A_83 = tpu.memref_slice %arg3[%dma_wait3A_79, %mul3A_0] : memref<2x320000xi32, #tpu.memory_space<hbm>> -> memref<1x6656xi32, #tpu.memory_space<hbm>>
      %dma_wait3A_84 = tpu.memref_squeeze %dma_wait3A_83 : memref<1x6656xi32, #tpu.memory_space<hbm>> -> memref<6656xi32, #tpu.memory_space<hbm>>
      %dma_wait3A_85 = arith.constant 0 : i32
      %dma_wait3A_86 = tpu.memref_slice %arg6[%rem3A_78, %dma_wait3A_85] : memref<2x6656xi32, #tpu.memory_space<vmem>> -> memref<1x6656xi32, #tpu.memory_space<vmem>>
      %dma_wait3A_87 = tpu.memref_squeeze %dma_wait3A_86 : memref<1x6656xi32, #tpu.memory_space<vmem>> -> memref<6656xi32, #tpu.memory_space<vmem>>
      %dma_wait3A_88 = tpu.memref_slice %arg3[%dma_wait3A_79, %mul3A_0] : memref<2x320000xi32, #tpu.memory_space<hbm>> -> memref<1x6656xi32, #tpu.memory_space<hbm>>
      %dma_wait3A_89 = tpu.memref_squeeze %dma_wait3A_88 : memref<1x6656xi32, #tpu.memory_space<hbm>> -> memref<6656xi32, #tpu.memory_space<hbm>>
      tpu.wait_dma2 semaphore(%arg13 : memref<!tpu.dma_semaphore, #tpu.memory_space<semaphore_mem>>) src(%dma_wait3A_89 : memref<6656xi32, #tpu.memory_space<hbm>>) dst(%dma_wait3A_87 : memref<6656xi32, #tpu.memory_space<vmem>>)
      %dma_wait3A_90 = arith.constant 1 : i32
      %dma_wait3A_91 = arith.constant 0 : i32
      %dma_wait3A_92 = tpu.memref_slice %arg7[%rem3A_78, %dma_wait3A_91] : memref<2x6656xi32, #tpu.memory_space<vmem>> -> memref<1x6656xi32, #tpu.memory_space<vmem>>
      %dma_wait3A_93 = tpu.memref_squeeze %dma_wait3A_92 : memref<1x6656xi32, #tpu.memory_space<vmem>> -> memref<6656xi32, #tpu.memory_space<vmem>>
      %dma_wait3A_94 = tpu.memref_slice %arg3[%dma_wait3A_90, %mul3A_0] : memref<2x320000xi32, #tpu.memory_space<hbm>> -> memref<1x6656xi32, #tpu.memory_space<hbm>>
      %dma_wait3A_95 = tpu.memref_squeeze %dma_wait3A_94 : memref<1x6656xi32, #tpu.memory_space<hbm>> -> memref<6656xi32, #tpu.memory_space<hbm>>
      %dma_wait3A_96 = arith.constant 0 : i32
      %dma_wait3A_97 = tpu.memref_slice %arg7[%rem3A_78, %dma_wait3A_96] : memref<2x6656xi32, #tpu.memory_space<vmem>> -> memref<1x6656xi32, #tpu.memory_space<vmem>>
      %dma_wait3A_98 = tpu.memref_squeeze %dma_wait3A_97 : memref<1x6656xi32, #tpu.memory_space<vmem>> -> memref<6656xi32, #tpu.memory_space<vmem>>
      %dma_wait3A_99 = tpu.memref_slice %arg3[%dma_wait3A_90, %mul3A_0] : memref<2x320000xi32, #tpu.memory_space<hbm>> -> memref<1x6656xi32, #tpu.memory_space<hbm>>
      %dma_wait3A_100 = tpu.memref_squeeze %dma_wait3A_99 : memref<1x6656xi32, #tpu.memory_space<hbm>> -> memref<6656xi32, #tpu.memory_space<hbm>>
      tpu.wait_dma2 semaphore(%arg13 : memref<!tpu.dma_semaphore, #tpu.memory_space<semaphore_mem>>) src(%dma_wait3A_100 : memref<6656xi32, #tpu.memory_space<hbm>>) dst(%dma_wait3A_98 : memref<6656xi32, #tpu.memory_space<vmem>>)
      %dma_start3A_101 = arith.constant 0 : i32
      %dma_start3A_102 = arith.constant 0 : i32
      %dma_start3A_103 = arith.constant 0 : i32
      %dma_start3A_104 = tpu.memref_slice %arg8[%dma_start3A_101, %dma_start3A_102, %dma_start3A_103] : memref<2x128x64xf32, #tpu.memory_space<vmem>> -> memref<1x128x64xf32, #tpu.memory_space<vmem>>
      %dma_start3A_105 = tpu.memref_squeeze %dma_start3A_104 : memref<1x128x64xf32, #tpu.memory_space<vmem>> -> memref<128x64xf32, #tpu.memory_space<vmem>>
      %dma_start3A_106 = arith.constant 0 : i32
      %dma_start3A_107 = tpu.memref_slice %arg6[%rem3A_78, %dma_start3A_106] : memref<2x6656xi32, #tpu.memory_space<vmem>> -> memref<1x128xi32, #tpu.memory_space<vmem>>
      %dma_start3A_108 = tpu.memref_squeeze %dma_start3A_107 : memref<1x128xi32, #tpu.memory_space<vmem>> -> memref<128xi32, #tpu.memory_space<vmem>>
      %dma_start3A_109 = arith.constant 0 : i32
      %dma_start3A_110 = arith.constant 0 : i32
      %dma_start3A_111 = tpu.memref_slice %arg9[%dma_start3A_109, %dma_start3A_110] : memref<10000x64xf32, #tpu.memory_space<vmem_shared>> -> memref<10000x64xf32, #tpu.memory_space<vmem_shared>>
      tpu.enqueue_indirect_dma source(%dma_start3A_111 : memref<10000x64xf32, #tpu.memory_space<vmem_shared>>) target(%dma_start3A_105 : memref<128x64xf32, #tpu.memory_space<vmem>>) offsets(%dma_start3A_108 : memref<128xi32, #tpu.memory_space<vmem>>) semaphore(%arg11 : memref<!tpu.dma_semaphore, #tpu.memory_space<semaphore_mem>>)
      %dma_start3A_112 = arith.constant 1 : i32
      %dma_start3A_113 = arith.constant 0 : i32
      %dma_start3A_114 = arith.constant 0 : i32
      %dma_start3A_115 = tpu.memref_slice %arg8[%dma_start3A_112, %dma_start3A_113, %dma_start3A_114] : memref<2x128x64xf32, #tpu.memory_space<vmem>> -> memref<1x128x64xf32, #tpu.memory_space<vmem>>
      %dma_start3A_116 = tpu.memref_squeeze %dma_start3A_115 : memref<1x128x64xf32, #tpu.memory_space<vmem>> -> memref<128x64xf32, #tpu.memory_space<vmem>>
      %dma_start3A_117 = arith.constant 128 : i32
      %dma_start3A_118 = tpu.memref_slice %arg6[%rem3A_78, %dma_start3A_117] : memref<2x6656xi32, #tpu.memory_space<vmem>> -> memref<1x128xi32, #tpu.memory_space<vmem>>
      %dma_start3A_119 = tpu.memref_squeeze %dma_start3A_118 : memref<1x128xi32, #tpu.memory_space<vmem>> -> memref<128xi32, #tpu.memory_space<vmem>>
      %dma_start3A_120 = arith.constant 0 : i32
      %dma_start3A_121 = arith.constant 0 : i32
      %dma_start3A_122 = tpu.memref_slice %arg9[%dma_start3A_120, %dma_start3A_121] : memref<10000x64xf32, #tpu.memory_space<vmem_shared>> -> memref<10000x64xf32, #tpu.memory_space<vmem_shared>>
      tpu.enqueue_indirect_dma source(%dma_start3A_122 : memref<10000x64xf32, #tpu.memory_space<vmem_shared>>) target(%dma_start3A_116 : memref<128x64xf32, #tpu.memory_space<vmem>>) offsets(%dma_start3A_119 : memref<128xi32, #tpu.memory_space<vmem>>) semaphore(%arg12 : memref<!tpu.dma_semaphore, #tpu.memory_space<semaphore_mem>>)
      %add3A_123 = arith.constant 1 : i32
      %add3A_124 = arith.addi %scan3A_77, %add3A_123 : i32
      %lt3A = arith.constant 3 : i32
      %lt3A_125 = arith.cmpi slt, %add3A_124, %lt3A : i32
      %convert_element_type3A = arith.extui %lt3A_125 : i1 to i32
      %cond3A = arith.constant 0 : i32
      %cond3A_126 = arith.cmpi ne, %convert_element_type3A, %cond3A : i32
      scf.if %cond3A_126 {
        %add3A_157 = arith.constant 1 : i32
        %add3A_158 = arith.addi %scan3A_77, %add3A_157 : i32
        %mul3A_159 = arith.constant 52 : i32
        %mul3A_160 = arith.muli %add3A_158, %mul3A_159 : i32
        %mul3A_161 = arith.constant 128 : i32
        %mul3A_162 = arith.muli %mul3A_160, %mul3A_161 : i32
        %add3A_163 = arith.addi %mul3A_0, %mul3A_162 : i32
        %sub3A = arith.constant 1 : i32
        %sub3A_164 = arith.subi %sub3A, %rem3A_78 : i32
        %dma_start3A_165 = arith.constant 0 : i32
        %dma_start3A_166 = arith.constant 0 : i32
        %dma_start3A_167 = tpu.memref_slice %arg6[%sub3A_164, %dma_start3A_166] : memref<2x6656xi32, #tpu.memory_space<vmem>> -> memref<1x6656xi32, #tpu.memory_space<vmem>>
        %dma_start3A_168 = tpu.memref_squeeze %dma_start3A_167 : memref<1x6656xi32, #tpu.memory_space<vmem>> -> memref<6656xi32, #tpu.memory_space<vmem>>
        %dma_start3A_169 = tpu.memref_slice %arg3[%dma_start3A_165, %add3A_163] : memref<2x320000xi32, #tpu.memory_space<hbm>> -> memref<1x6656xi32, #tpu.memory_space<hbm>>
        %dma_start3A_170 = tpu.memref_squeeze %dma_start3A_169 : memref<1x6656xi32, #tpu.memory_space<hbm>> -> memref<6656xi32, #tpu.memory_space<hbm>>
        %dma_start3A_171 = arith.constant 0 : i32
        %dma_start3A_172 = tpu.memref_slice %arg6[%sub3A_164, %dma_start3A_171] : memref<2x6656xi32, #tpu.memory_space<vmem>> -> memref<1x6656xi32, #tpu.memory_space<vmem>>
        %dma_start3A_173 = tpu.memref_squeeze %dma_start3A_172 : memref<1x6656xi32, #tpu.memory_space<vmem>> -> memref<6656xi32, #tpu.memory_space<vmem>>
        %dma_start3A_174 = tpu.memref_slice %arg3[%dma_start3A_165, %add3A_163] : memref<2x320000xi32, #tpu.memory_space<hbm>> -> memref<1x6656xi32, #tpu.memory_space<hbm>>
        %dma_start3A_175 = tpu.memref_squeeze %dma_start3A_174 : memref<1x6656xi32, #tpu.memory_space<hbm>> -> memref<6656xi32, #tpu.memory_space<hbm>>
        tpu.enqueue_dma source(%dma_start3A_175 : memref<6656xi32, #tpu.memory_space<hbm>>) target(%dma_start3A_173 : memref<6656xi32, #tpu.memory_space<vmem>>) target_semaphore(%arg13 : memref<!tpu.dma_semaphore, #tpu.memory_space<semaphore_mem>>)
        %sub3A_176 = arith.constant 1 : i32
        %sub3A_177 = arith.subi %sub3A_176, %rem3A_78 : i32
        %dma_start3A_178 = arith.constant 1 : i32
        %dma_start3A_179 = arith.constant 0 : i32
        %dma_start3A_180 = tpu.memref_slice %arg7[%sub3A_177, %dma_start3A_179] : memref<2x6656xi32, #tpu.memory_space<vmem>> -> memref<1x6656xi32, #tpu.memory_space<vmem>>
        %dma_start3A_181 = tpu.memref_squeeze %dma_start3A_180 : memref<1x6656xi32, #tpu.memory_space<vmem>> -> memref<6656xi32, #tpu.memory_space<vmem>>
        %dma_start3A_182 = tpu.memref_slice %arg3[%dma_start3A_178, %add3A_163] : memref<2x320000xi32, #tpu.memory_space<hbm>> -> memref<1x6656xi32, #tpu.memory_space<hbm>>
        %dma_start3A_183 = tpu.memref_squeeze %dma_start3A_182 : memref<1x6656xi32, #tpu.memory_space<hbm>> -> memref<6656xi32, #tpu.memory_space<hbm>>
        %dma_start3A_184 = arith.constant 0 : i32
        %dma_start3A_185 = tpu.memref_slice %arg7[%sub3A_177, %dma_start3A_184] : memref<2x6656xi32, #tpu.memory_space<vmem>> -> memref<1x6656xi32, #tpu.memory_space<vmem>>
        %dma_start3A_186 = tpu.memref_squeeze %dma_start3A_185 : memref<1x6656xi32, #tpu.memory_space<vmem>> -> memref<6656xi32, #tpu.memory_space<vmem>>
        %dma_start3A_187 = tpu.memref_slice %arg3[%dma_start3A_178, %add3A_163] : memref<2x320000xi32, #tpu.memory_space<hbm>> -> memref<1x6656xi32, #tpu.memory_space<hbm>>
        %dma_start3A_188 = tpu.memref_squeeze %dma_start3A_187 : memref<1x6656xi32, #tpu.memory_space<hbm>> -> memref<6656xi32, #tpu.memory_space<hbm>>
        tpu.enqueue_dma source(%dma_start3A_188 : memref<6656xi32, #tpu.memory_space<hbm>>) target(%dma_start3A_186 : memref<6656xi32, #tpu.memory_space<vmem>>) target_semaphore(%arg13 : memref<!tpu.dma_semaphore, #tpu.memory_space<semaphore_mem>>)
      } else {
      }
      %scan3A_127 = arith.constant 0 : i32
      %scan3A_128 = arith.constant 0 : i32
      %scan3A_129 = arith.constant 25 : i32
      %scan3A_130 = arith.addi %scan3A_128, %scan3A_129 : i32
      %scan3A_131 = arith.constant 1 : i32
      scf.for %scan3A_157 = %scan3A_128 to %scan3A_130 step %scan3A_131  : i32 {
        %mul3A_158 = arith.constant 2 : i32
        %mul3A_159 = arith.muli %mul3A_158, %scan3A_157 : i32
        %add3A_160 = arith.constant 0 : i32
        %add3A_161 = arith.addi %mul3A_159, %add3A_160 : i32
        %mul3A_162 = arith.constant 128 : i32
        %mul3A_163 = arith.muli %add3A_161, %mul3A_162 : i32
        %dma_wait3A_164 = arith.constant 0 : i32
        %dma_wait3A_165 = arith.constant 0 : i32
        %dma_wait3A_166 = arith.constant 0 : i32
        %dma_wait3A_167 = tpu.memref_slice %arg8[%dma_wait3A_164, %dma_wait3A_165, %dma_wait3A_166] : memref<2x128x64xf32, #tpu.memory_space<vmem>> -> memref<1x128x64xf32, #tpu.memory_space<vmem>>
        %dma_wait3A_168 = tpu.memref_squeeze %dma_wait3A_167 : memref<1x128x64xf32, #tpu.memory_space<vmem>> -> memref<128x64xf32, #tpu.memory_space<vmem>>
        %dma_wait3A_169 = tpu.memref_slice %arg6[%rem3A_78, %mul3A_163] : memref<2x6656xi32, #tpu.memory_space<vmem>> -> memref<1x128xi32, #tpu.memory_space<vmem>>
        %dma_wait3A_170 = tpu.memref_squeeze %dma_wait3A_169 : memref<1x128xi32, #tpu.memory_space<vmem>> -> memref<128xi32, #tpu.memory_space<vmem>>
        %dma_wait3A_171 = arith.constant 0 : i32
        %dma_wait3A_172 = arith.constant 0 : i32
        %dma_wait3A_173 = tpu.memref_slice %arg9[%dma_wait3A_171, %dma_wait3A_172] : memref<10000x64xf32, #tpu.memory_space<vmem_shared>> -> memref<10000x64xf32, #tpu.memory_space<vmem_shared>>
        tpu.wait_indirect_dma semaphore(%arg11 : memref<!tpu.dma_semaphore, #tpu.memory_space<semaphore_mem>>) src(%dma_wait3A_173 : memref<10000x64xf32, #tpu.memory_space<vmem_shared>>) dst(%dma_wait3A_168 : memref<128x64xf32, #tpu.memory_space<vmem>>)
        %mul3A_174 = arith.constant 128 : i32
        %mul3A_175 = arith.muli %add3A_161, %mul3A_174 : i32
        %run_scoped3A_176 = arith.constant 0 : i32
        "tpu.region"() ({
          %run_scoped3A_222 = tpu.sem_alloc : memref<!tpu.dma_semaphore, #tpu.memory_space<semaphore_mem>>
          %dma_start3A_223 = arith.constant 0 : i32
          %dma_start3A_224 = arith.constant 0 : i32
          %dma_start3A_225 = tpu.memref_slice %arg8[%run_scoped3A_176, %dma_start3A_223, %dma_start3A_224] : memref<2x128x64xf32, #tpu.memory_space<vmem>> -> memref<1x128x64xf32, #tpu.memory_space<vmem>>
          %dma_start3A_226 = tpu.memref_squeeze %dma_start3A_225 : memref<1x128x64xf32, #tpu.memory_space<vmem>> -> memref<128x64xf32, #tpu.memory_space<vmem>>
          %dma_start3A_227 = tpu.memref_slice %arg7[%rem3A_78, %mul3A_175] : memref<2x6656xi32, #tpu.memory_space<vmem>> -> memref<1x128xi32, #tpu.memory_space<vmem>>
          %dma_start3A_228 = tpu.memref_squeeze %dma_start3A_227 : memref<1x128xi32, #tpu.memory_space<vmem>> -> memref<128xi32, #tpu.memory_space<vmem>>
          %dma_start3A_229 = arith.constant 0 : i32
          %dma_start3A_230 = arith.constant 0 : i32
          %dma_start3A_231 = tpu.memref_slice %arg10[%dma_start3A_229, %dma_start3A_230] : memref<10112x64xf32, #tpu.memory_space<vmem_shared>> -> memref<10112x64xf32, #tpu.memory_space<vmem_shared>>
          tpu.enqueue_indirect_dma source(%dma_start3A_226 : memref<128x64xf32, #tpu.memory_space<vmem>>) target(%dma_start3A_231 : memref<10112x64xf32, #tpu.memory_space<vmem_shared>>) offsets(%dma_start3A_228 : memref<128xi32, #tpu.memory_space<vmem>>) semaphore(%run_scoped3A_222 : memref<!tpu.dma_semaphore, #tpu.memory_space<semaphore_mem>>) {add = true}
          %dma_wait3A_232 = arith.constant 0 : i32
          %dma_wait3A_233 = arith.constant 0 : i32
          %dma_wait3A_234 = tpu.memref_slice %arg8[%run_scoped3A_176, %dma_wait3A_232, %dma_wait3A_233] : memref<2x128x64xf32, #tpu.memory_space<vmem>> -> memref<1x128x64xf32, #tpu.memory_space<vmem>>
          %dma_wait3A_235 = tpu.memref_squeeze %dma_wait3A_234 : memref<1x128x64xf32, #tpu.memory_space<vmem>> -> memref<128x64xf32, #tpu.memory_space<vmem>>
          %dma_wait3A_236 = tpu.memref_slice %arg7[%rem3A_78, %mul3A_175] : memref<2x6656xi32, #tpu.memory_space<vmem>> -> memref<1x128xi32, #tpu.memory_space<vmem>>
          %dma_wait3A_237 = tpu.memref_squeeze %dma_wait3A_236 : memref<1x128xi32, #tpu.memory_space<vmem>> -> memref<128xi32, #tpu.memory_space<vmem>>
          %dma_wait3A_238 = arith.constant 0 : i32
          %dma_wait3A_239 = arith.constant 0 : i32
          %dma_wait3A_240 = tpu.memref_slice %arg10[%dma_wait3A_238, %dma_wait3A_239] : memref<10112x64xf32, #tpu.memory_space<vmem_shared>> -> memref<10112x64xf32, #tpu.memory_space<vmem_shared>>
          tpu.wait_indirect_dma semaphore(%run_scoped3A_222 : memref<!tpu.dma_semaphore, #tpu.memory_space<semaphore_mem>>) src(%dma_wait3A_235 : memref<128x64xf32, #tpu.memory_space<vmem>>) dst(%dma_wait3A_240 : memref<10112x64xf32, #tpu.memory_space<vmem_shared>>)
          tpu.yield
        }) : () -> ()
        %add3A_177 = arith.constant 2 : i32
        %add3A_178 = arith.addi %add3A_161, %add3A_177 : i32
        %mul3A_179 = arith.constant 128 : i32
        %mul3A_180 = arith.muli %add3A_178, %mul3A_179 : i32
        %dma_start3A_181 = arith.constant 0 : i32
        %dma_start3A_182 = arith.constant 0 : i32
        %dma_start3A_183 = arith.constant 0 : i32
        %dma_start3A_184 = tpu.memref_slice %arg8[%dma_start3A_181, %dma_start3A_182, %dma_start3A_183] : memref<2x128x64xf32, #tpu.memory_space<vmem>> -> memref<1x128x64xf32, #tpu.memory_space<vmem>>
        %dma_start3A_185 = tpu.memref_squeeze %dma_start3A_184 : memref<1x128x64xf32, #tpu.memory_space<vmem>> -> memref<128x64xf32, #tpu.memory_space<vmem>>
        %dma_start3A_186 = tpu.memref_slice %arg6[%rem3A_78, %mul3A_180] : memref<2x6656xi32, #tpu.memory_space<vmem>> -> memref<1x128xi32, #tpu.memory_space<vmem>>
        %dma_start3A_187 = tpu.memref_squeeze %dma_start3A_186 : memref<1x128xi32, #tpu.memory_space<vmem>> -> memref<128xi32, #tpu.memory_space<vmem>>
        %dma_start3A_188 = arith.constant 0 : i32
        %dma_start3A_189 = arith.constant 0 : i32
        %dma_start3A_190 = tpu.memref_slice %arg9[%dma_start3A_188, %dma_start3A_189] : memref<10000x64xf32, #tpu.memory_space<vmem_shared>> -> memref<10000x64xf32, #tpu.memory_space<vmem_shared>>
        tpu.enqueue_indirect_dma source(%dma_start3A_190 : memref<10000x64xf32, #tpu.memory_space<vmem_shared>>) target(%dma_start3A_185 : memref<128x64xf32, #tpu.memory_space<vmem>>) offsets(%dma_start3A_187 : memref<128xi32, #tpu.memory_space<vmem>>) semaphore(%arg11 : memref<!tpu.dma_semaphore, #tpu.memory_space<semaphore_mem>>)
        %add3A_191 = arith.constant 1 : i32
        %add3A_192 = arith.addi %mul3A_159, %add3A_191 : i32
        %mul3A_193 = arith.constant 128 : i32
        %mul3A_194 = arith.muli %add3A_192, %mul3A_193 : i32
        %dma_wait3A_195 = arith.constant 1 : i32
        %dma_wait3A_196 = arith.constant 0 : i32
        %dma_wait3A_197 = arith.constant 0 : i32
        %dma_wait3A_198 = tpu.memref_slice %arg8[%dma_wait3A_195, %dma_wait3A_196, %dma_wait3A_197] : memref<2x128x64xf32, #tpu.memory_space<vmem>> -> memref<1x128x64xf32, #tpu.memory_space<vmem>>
        %dma_wait3A_199 = tpu.memref_squeeze %dma_wait3A_198 : memref<1x128x64xf32, #tpu.memory_space<vmem>> -> memref<128x64xf32, #tpu.memory_space<vmem>>
        %dma_wait3A_200 = tpu.memref_slice %arg6[%rem3A_78, %mul3A_194] : memref<2x6656xi32, #tpu.memory_space<vmem>> -> memref<1x128xi32, #tpu.memory_space<vmem>>
        %dma_wait3A_201 = tpu.memref_squeeze %dma_wait3A_200 : memref<1x128xi32, #tpu.memory_space<vmem>> -> memref<128xi32, #tpu.memory_space<vmem>>
        %dma_wait3A_202 = arith.constant 0 : i32
        %dma_wait3A_203 = arith.constant 0 : i32
        %dma_wait3A_204 = tpu.memref_slice %arg9[%dma_wait3A_202, %dma_wait3A_203] : memref<10000x64xf32, #tpu.memory_space<vmem_shared>> -> memref<10000x64xf32, #tpu.memory_space<vmem_shared>>
        tpu.wait_indirect_dma semaphore(%arg12 : memref<!tpu.dma_semaphore, #tpu.memory_space<semaphore_mem>>) src(%dma_wait3A_204 : memref<10000x64xf32, #tpu.memory_space<vmem_shared>>) dst(%dma_wait3A_199 : memref<128x64xf32, #tpu.memory_space<vmem>>)
        %mul3A_205 = arith.constant 128 : i32
        %mul3A_206 = arith.muli %add3A_192, %mul3A_205 : i32
        %run_scoped3A_207 = arith.constant 1 : i32
        "tpu.region"() ({
          %run_scoped3A_222 = tpu.sem_alloc : memref<!tpu.dma_semaphore, #tpu.memory_space<semaphore_mem>>
          %dma_start3A_223 = arith.constant 0 : i32
          %dma_start3A_224 = arith.constant 0 : i32
          %dma_start3A_225 = tpu.memref_slice %arg8[%run_scoped3A_207, %dma_start3A_223, %dma_start3A_224] : memref<2x128x64xf32, #tpu.memory_space<vmem>> -> memref<1x128x64xf32, #tpu.memory_space<vmem>>
          %dma_start3A_226 = tpu.memref_squeeze %dma_start3A_225 : memref<1x128x64xf32, #tpu.memory_space<vmem>> -> memref<128x64xf32, #tpu.memory_space<vmem>>
          %dma_start3A_227 = tpu.memref_slice %arg7[%rem3A_78, %mul3A_206] : memref<2x6656xi32, #tpu.memory_space<vmem>> -> memref<1x128xi32, #tpu.memory_space<vmem>>
          %dma_start3A_228 = tpu.memref_squeeze %dma_start3A_227 : memref<1x128xi32, #tpu.memory_space<vmem>> -> memref<128xi32, #tpu.memory_space<vmem>>
          %dma_start3A_229 = arith.constant 0 : i32
          %dma_start3A_230 = arith.constant 0 : i32
          %dma_start3A_231 = tpu.memref_slice %arg10[%dma_start3A_229, %dma_start3A_230] : memref<10112x64xf32, #tpu.memory_space<vmem_shared>> -> memref<10112x64xf32, #tpu.memory_space<vmem_shared>>
          tpu.enqueue_indirect_dma source(%dma_start3A_226 : memref<128x64xf32, #tpu.memory_space<vmem>>) target(%dma_start3A_231 : memref<10112x64xf32, #tpu.memory_space<vmem_shared>>) offsets(%dma_start3A_228 : memref<128xi32, #tpu.memory_space<vmem>>) semaphore(%run_scoped3A_222 : memref<!tpu.dma_semaphore, #tpu.memory_space<semaphore_mem>>) {add = true}
          %dma_wait3A_232 = arith.constant 0 : i32
          %dma_wait3A_233 = arith.constant 0 : i32
          %dma_wait3A_234 = tpu.memref_slice %arg8[%run_scoped3A_207, %dma_wait3A_232, %dma_wait3A_233] : memref<2x128x64xf32, #tpu.memory_space<vmem>> -> memref<1x128x64xf32, #tpu.memory_space<vmem>>
          %dma_wait3A_235 = tpu.memref_squeeze %dma_wait3A_234 : memref<1x128x64xf32, #tpu.memory_space<vmem>> -> memref<128x64xf32, #tpu.memory_space<vmem>>
          %dma_wait3A_236 = tpu.memref_slice %arg7[%rem3A_78, %mul3A_206] : memref<2x6656xi32, #tpu.memory_space<vmem>> -> memref<1x128xi32, #tpu.memory_space<vmem>>
          %dma_wait3A_237 = tpu.memref_squeeze %dma_wait3A_236 : memref<1x128xi32, #tpu.memory_space<vmem>> -> memref<128xi32, #tpu.memory_space<vmem>>
          %dma_wait3A_238 = arith.constant 0 : i32
          %dma_wait3A_239 = arith.constant 0 : i32
          %dma_wait3A_240 = tpu.memref_slice %arg10[%dma_wait3A_238, %dma_wait3A_239] : memref<10112x64xf32, #tpu.memory_space<vmem_shared>> -> memref<10112x64xf32, #tpu.memory_space<vmem_shared>>
          tpu.wait_indirect_dma semaphore(%run_scoped3A_222 : memref<!tpu.dma_semaphore, #tpu.memory_space<semaphore_mem>>) src(%dma_wait3A_235 : memref<128x64xf32, #tpu.memory_space<vmem>>) dst(%dma_wait3A_240 : memref<10112x64xf32, #tpu.memory_space<vmem_shared>>)
          tpu.yield
        }) : () -> ()
        %add3A_208 = arith.constant 2 : i32
        %add3A_209 = arith.addi %add3A_192, %add3A_208 : i32
        %mul3A_210 = arith.constant 128 : i32
        %mul3A_211 = arith.muli %add3A_209, %mul3A_210 : i32
        %dma_start3A_212 = arith.constant 1 : i32
        %dma_start3A_213 = arith.constant 0 : i32
        %dma_start3A_214 = arith.constant 0 : i32
        %dma_start3A_215 = tpu.memref_slice %arg8[%dma_start3A_212, %dma_start3A_213, %dma_start3A_214] : memref<2x128x64xf32, #tpu.memory_space<vmem>> -> memref<1x128x64xf32, #tpu.memory_space<vmem>>
        %dma_start3A_216 = tpu.memref_squeeze %dma_start3A_215 : memref<1x128x64xf32, #tpu.memory_space<vmem>> -> memref<128x64xf32, #tpu.memory_space<vmem>>
        %dma_start3A_217 = tpu.memref_slice %arg6[%rem3A_78, %mul3A_211] : memref<2x6656xi32, #tpu.memory_space<vmem>> -> memref<1x128xi32, #tpu.memory_space<vmem>>
        %dma_start3A_218 = tpu.memref_squeeze %dma_start3A_217 : memref<1x128xi32, #tpu.memory_space<vmem>> -> memref<128xi32, #tpu.memory_space<vmem>>
        %dma_start3A_219 = arith.constant 0 : i32
        %dma_start3A_220 = arith.constant 0 : i32
        %dma_start3A_221 = tpu.memref_slice %arg9[%dma_start3A_219, %dma_start3A_220] : memref<10000x64xf32, #tpu.memory_space<vmem_shared>> -> memref<10000x64xf32, #tpu.memory_space<vmem_shared>>
        tpu.enqueue_indirect_dma source(%dma_start3A_221 : memref<10000x64xf32, #tpu.memory_space<vmem_shared>>) target(%dma_start3A_216 : memref<128x64xf32, #tpu.memory_space<vmem>>) offsets(%dma_start3A_218 : memref<128xi32, #tpu.memory_space<vmem>>) semaphore(%arg12 : memref<!tpu.dma_semaphore, #tpu.memory_space<semaphore_mem>>)
      }
      %scan3A_132 = arith.constant 25 : i32
      %dma_wait3A_133 = arith.constant 0 : i32
      %dma_wait3A_134 = arith.constant 0 : i32
      %dma_wait3A_135 = arith.constant 0 : i32
      %dma_wait3A_136 = tpu.memref_slice %arg8[%dma_wait3A_133, %dma_wait3A_134, %dma_wait3A_135] : memref<2x128x64xf32, #tpu.memory_space<vmem>> -> memref<1x128x64xf32, #tpu.memory_space<vmem>>
      %dma_wait3A_137 = tpu.memref_squeeze %dma_wait3A_136 : memref<1x128x64xf32, #tpu.memory_space<vmem>> -> memref<128x64xf32, #tpu.memory_space<vmem>>
      %dma_wait3A_138 = arith.constant 6400 : i32
      %dma_wait3A_139 = tpu.memref_slice %arg6[%rem3A_78, %dma_wait3A_138] : memref<2x6656xi32, #tpu.memory_space<vmem>> -> memref<1x128xi32, #tpu.memory_space<vmem>>
      %dma_wait3A_140 = tpu.memref_squeeze %dma_wait3A_139 : memref<1x128xi32, #tpu.memory_space<vmem>> -> memref<128xi32, #tpu.memory_space<vmem>>
      %dma_wait3A_141 = arith.constant 0 : i32
      %dma_wait3A_142 = arith.constant 0 : i32
      %dma_wait3A_143 = tpu.memref_slice %arg9[%dma_wait3A_141, %dma_wait3A_142] : memref<10000x64xf32, #tpu.memory_space<vmem_shared>> -> memref<10000x64xf32, #tpu.memory_space<vmem_shared>>
      tpu.wait_indirect_dma semaphore(%arg11 : memref<!tpu.dma_semaphore, #tpu.memory_space<semaphore_mem>>) src(%dma_wait3A_143 : memref<10000x64xf32, #tpu.memory_space<vmem_shared>>) dst(%dma_wait3A_137 : memref<128x64xf32, #tpu.memory_space<vmem>>)
      %run_scoped3A_144 = arith.constant 0 : i32
      "tpu.region"() ({
        %run_scoped3A_157 = tpu.sem_alloc : memref<!tpu.dma_semaphore, #tpu.memory_space<semaphore_mem>>
        %dma_start3A_158 = arith.constant 0 : i32
        %dma_start3A_159 = arith.constant 0 : i32
        %dma_start3A_160 = tpu.memref_slice %arg8[%run_scoped3A_144, %dma_start3A_158, %dma_start3A_159] : memref<2x128x64xf32, #tpu.memory_space<vmem>> -> memref<1x128x64xf32, #tpu.memory_space<vmem>>
        %dma_start3A_161 = tpu.memref_squeeze %dma_start3A_160 : memref<1x128x64xf32, #tpu.memory_space<vmem>> -> memref<128x64xf32, #tpu.memory_space<vmem>>
        %dma_start3A_162 = arith.constant 6400 : i32
        %dma_start3A_163 = tpu.memref_slice %arg7[%rem3A_78, %dma_start3A_162] : memref<2x6656xi32, #tpu.memory_space<vmem>> -> memref<1x128xi32, #tpu.memory_space<vmem>>
        %dma_start3A_164 = tpu.memref_squeeze %dma_start3A_163 : memref<1x128xi32, #tpu.memory_space<vmem>> -> memref<128xi32, #tpu.memory_space<vmem>>
        %dma_start3A_165 = arith.constant 0 : i32
        %dma_start3A_166 = arith.constant 0 : i32
        %dma_start3A_167 = tpu.memref_slice %arg10[%dma_start3A_165, %dma_start3A_166] : memref<10112x64xf32, #tpu.memory_space<vmem_shared>> -> memref<10112x64xf32, #tpu.memory_space<vmem_shared>>
        tpu.enqueue_indirect_dma source(%dma_start3A_161 : memref<128x64xf32, #tpu.memory_space<vmem>>) target(%dma_start3A_167 : memref<10112x64xf32, #tpu.memory_space<vmem_shared>>) offsets(%dma_start3A_164 : memref<128xi32, #tpu.memory_space<vmem>>) semaphore(%run_scoped3A_157 : memref<!tpu.dma_semaphore, #tpu.memory_space<semaphore_mem>>) {add = true}
        %dma_wait3A_168 = arith.constant 0 : i32
        %dma_wait3A_169 = arith.constant 0 : i32
        %dma_wait3A_170 = tpu.memref_slice %arg8[%run_scoped3A_144, %dma_wait3A_168, %dma_wait3A_169] : memref<2x128x64xf32, #tpu.memory_space<vmem>> -> memref<1x128x64xf32, #tpu.memory_space<vmem>>
        %dma_wait3A_171 = tpu.memref_squeeze %dma_wait3A_170 : memref<1x128x64xf32, #tpu.memory_space<vmem>> -> memref<128x64xf32, #tpu.memory_space<vmem>>
        %dma_wait3A_172 = arith.constant 6400 : i32
        %dma_wait3A_173 = tpu.memref_slice %arg7[%rem3A_78, %dma_wait3A_172] : memref<2x6656xi32, #tpu.memory_space<vmem>> -> memref<1x128xi32, #tpu.memory_space<vmem>>
        %dma_wait3A_174 = tpu.memref_squeeze %dma_wait3A_173 : memref<1x128xi32, #tpu.memory_space<vmem>> -> memref<128xi32, #tpu.memory_space<vmem>>
        %dma_wait3A_175 = arith.constant 0 : i32
        %dma_wait3A_176 = arith.constant 0 : i32
        %dma_wait3A_177 = tpu.memref_slice %arg10[%dma_wait3A_175, %dma_wait3A_176] : memref<10112x64xf32, #tpu.memory_space<vmem_shared>> -> memref<10112x64xf32, #tpu.memory_space<vmem_shared>>
        tpu.wait_indirect_dma semaphore(%run_scoped3A_157 : memref<!tpu.dma_semaphore, #tpu.memory_space<semaphore_mem>>) src(%dma_wait3A_171 : memref<128x64xf32, #tpu.memory_space<vmem>>) dst(%dma_wait3A_177 : memref<10112x64xf32, #tpu.memory_space<vmem_shared>>)
        tpu.yield
      }) : () -> ()
      %dma_wait3A_145 = arith.constant 1 : i32
      %dma_wait3A_146 = arith.constant 0 : i32
      %dma_wait3A_147 = arith.constant 0 : i32
      %dma_wait3A_148 = tpu.memref_slice %arg8[%dma_wait3A_145, %dma_wait3A_146, %dma_wait3A_147] : memref<2x128x64xf32, #tpu.memory_space<vmem>> -> memref<1x128x64xf32, #tpu.memory_space<vmem>>
      %dma_wait3A_149 = tpu.memref_squeeze %dma_wait3A_148 : memref<1x128x64xf32, #tpu.memory_space<vmem>> -> memref<128x64xf32, #tpu.memory_space<vmem>>
      %dma_wait3A_150 = arith.constant 6528 : i32
      %dma_wait3A_151 = tpu.memref_slice %arg6[%rem3A_78, %dma_wait3A_150] : memref<2x6656xi32, #tpu.memory_space<vmem>> -> memref<1x128xi32, #tpu.memory_space<vmem>>
      %dma_wait3A_152 = tpu.memref_squeeze %dma_wait3A_151 : memref<1x128xi32, #tpu.memory_space<vmem>> -> memref<128xi32, #tpu.memory_space<vmem>>
      %dma_wait3A_153 = arith.constant 0 : i32
      %dma_wait3A_154 = arith.constant 0 : i32
      %dma_wait3A_155 = tpu.memref_slice %arg9[%dma_wait3A_153, %dma_wait3A_154] : memref<10000x64xf32, #tpu.memory_space<vmem_shared>> -> memref<10000x64xf32, #tpu.memory_space<vmem_shared>>
      tpu.wait_indirect_dma semaphore(%arg12 : memref<!tpu.dma_semaphore, #tpu.memory_space<semaphore_mem>>) src(%dma_wait3A_155 : memref<10000x64xf32, #tpu.memory_space<vmem_shared>>) dst(%dma_wait3A_149 : memref<128x64xf32, #tpu.memory_space<vmem>>)
      %run_scoped3A_156 = arith.constant 1 : i32
      "tpu.region"() ({
        %run_scoped3A_157 = tpu.sem_alloc : memref<!tpu.dma_semaphore, #tpu.memory_space<semaphore_mem>>
        %dma_start3A_158 = arith.constant 0 : i32
        %dma_start3A_159 = arith.constant 0 : i32
        %dma_start3A_160 = tpu.memref_slice %arg8[%run_scoped3A_156, %dma_start3A_158, %dma_start3A_159] : memref<2x128x64xf32, #tpu.memory_space<vmem>> -> memref<1x128x64xf32, #tpu.memory_space<vmem>>
        %dma_start3A_161 = tpu.memref_squeeze %dma_start3A_160 : memref<1x128x64xf32, #tpu.memory_space<vmem>> -> memref<128x64xf32, #tpu.memory_space<vmem>>
        %dma_start3A_162 = arith.constant 6528 : i32
        %dma_start3A_163 = tpu.memref_slice %arg7[%rem3A_78, %dma_start3A_162] : memref<2x6656xi32, #tpu.memory_space<vmem>> -> memref<1x128xi32, #tpu.memory_space<vmem>>
        %dma_start3A_164 = tpu.memref_squeeze %dma_start3A_163 : memref<1x128xi32, #tpu.memory_space<vmem>> -> memref<128xi32, #tpu.memory_space<vmem>>
        %dma_start3A_165 = arith.constant 0 : i32
        %dma_start3A_166 = arith.constant 0 : i32
        %dma_start3A_167 = tpu.memref_slice %arg10[%dma_start3A_165, %dma_start3A_166] : memref<10112x64xf32, #tpu.memory_space<vmem_shared>> -> memref<10112x64xf32, #tpu.memory_space<vmem_shared>>
        tpu.enqueue_indirect_dma source(%dma_start3A_161 : memref<128x64xf32, #tpu.memory_space<vmem>>) target(%dma_start3A_167 : memref<10112x64xf32, #tpu.memory_space<vmem_shared>>) offsets(%dma_start3A_164 : memref<128xi32, #tpu.memory_space<vmem>>) semaphore(%run_scoped3A_157 : memref<!tpu.dma_semaphore, #tpu.memory_space<semaphore_mem>>) {add = true}
        %dma_wait3A_168 = arith.constant 0 : i32
        %dma_wait3A_169 = arith.constant 0 : i32
        %dma_wait3A_170 = tpu.memref_slice %arg8[%run_scoped3A_156, %dma_wait3A_168, %dma_wait3A_169] : memref<2x128x64xf32, #tpu.memory_space<vmem>> -> memref<1x128x64xf32, #tpu.memory_space<vmem>>
        %dma_wait3A_171 = tpu.memref_squeeze %dma_wait3A_170 : memref<1x128x64xf32, #tpu.memory_space<vmem>> -> memref<128x64xf32, #tpu.memory_space<vmem>>
        %dma_wait3A_172 = arith.constant 6528 : i32
        %dma_wait3A_173 = tpu.memref_slice %arg7[%rem3A_78, %dma_wait3A_172] : memref<2x6656xi32, #tpu.memory_space<vmem>> -> memref<1x128xi32, #tpu.memory_space<vmem>>
        %dma_wait3A_174 = tpu.memref_squeeze %dma_wait3A_173 : memref<1x128xi32, #tpu.memory_space<vmem>> -> memref<128xi32, #tpu.memory_space<vmem>>
        %dma_wait3A_175 = arith.constant 0 : i32
        %dma_wait3A_176 = arith.constant 0 : i32
        %dma_wait3A_177 = tpu.memref_slice %arg10[%dma_wait3A_175, %dma_wait3A_176] : memref<10112x64xf32, #tpu.memory_space<vmem_shared>> -> memref<10112x64xf32, #tpu.memory_space<vmem_shared>>
        tpu.wait_indirect_dma semaphore(%run_scoped3A_157 : memref<!tpu.dma_semaphore, #tpu.memory_space<semaphore_mem>>) src(%dma_wait3A_171 : memref<128x64xf32, #tpu.memory_space<vmem>>) dst(%dma_wait3A_177 : memref<10112x64xf32, #tpu.memory_space<vmem_shared>>)
        tpu.yield
      }) : () -> ()
    }
    %scan3A_59 = arith.constant 3 : i32
    %add3A = arith.constant 19968 : i32
    %add3A_60 = arith.addi %mul3A_0, %add3A : i32
    %run_scoped3A = arith.constant 0 : i32
    %run_scoped3A_61 = arith.constant 0 : i32
    "tpu.region"() ({
      %run_scoped3A_77 = tpu.sem_alloc : memref<!tpu.dma_semaphore, #tpu.memory_space<semaphore_mem>>
      %dma_start3A_78 = arith.constant 0 : i32
      %dma_start3A_79 = tpu.memref_slice %arg6[%run_scoped3A_61, %dma_start3A_78] : memref<2x6656xi32, #tpu.memory_space<vmem>> -> memref<1x32xi32, #tpu.memory_space<vmem>>
      %dma_start3A_80 = tpu.memref_squeeze %dma_start3A_79 : memref<1x32xi32, #tpu.memory_space<vmem>> -> memref<32xi32, #tpu.memory_space<vmem>>
      %dma_start3A_81 = tpu.memref_slice %arg3[%run_scoped3A, %add3A_60] : memref<2x320000xi32, #tpu.memory_space<hbm>> -> memref<1x32xi32, #tpu.memory_space<hbm>>
      %dma_start3A_82 = tpu.memref_squeeze %dma_start3A_81 : memref<1x32xi32, #tpu.memory_space<hbm>> -> memref<32xi32, #tpu.memory_space<hbm>>
      %dma_start3A_83 = arith.constant 0 : i32
      %dma_start3A_84 = tpu.memref_slice %arg6[%run_scoped3A_61, %dma_start3A_83] : memref<2x6656xi32, #tpu.memory_space<vmem>> -> memref<1x32xi32, #tpu.memory_space<vmem>>
      %dma_start3A_85 = tpu.memref_squeeze %dma_start3A_84 : memref<1x32xi32, #tpu.memory_space<vmem>> -> memref<32xi32, #tpu.memory_space<vmem>>
      %dma_start3A_86 = tpu.memref_slice %arg3[%run_scoped3A, %add3A_60] : memref<2x320000xi32, #tpu.memory_space<hbm>> -> memref<1x32xi32, #tpu.memory_space<hbm>>
      %dma_start3A_87 = tpu.memref_squeeze %dma_start3A_86 : memref<1x32xi32, #tpu.memory_space<hbm>> -> memref<32xi32, #tpu.memory_space<hbm>>
      tpu.enqueue_dma source(%dma_start3A_87 : memref<32xi32, #tpu.memory_space<hbm>>) target(%dma_start3A_85 : memref<32xi32, #tpu.memory_space<vmem>>) target_semaphore(%run_scoped3A_77 : memref<!tpu.dma_semaphore, #tpu.memory_space<semaphore_mem>>)
      %dma_wait3A_88 = arith.constant 0 : i32
      %dma_wait3A_89 = tpu.memref_slice %arg6[%run_scoped3A_61, %dma_wait3A_88] : memref<2x6656xi32, #tpu.memory_space<vmem>> -> memref<1x32xi32, #tpu.memory_space<vmem>>
      %dma_wait3A_90 = tpu.memref_squeeze %dma_wait3A_89 : memref<1x32xi32, #tpu.memory_space<vmem>> -> memref<32xi32, #tpu.memory_space<vmem>>
      %dma_wait3A_91 = tpu.memref_slice %arg3[%run_scoped3A, %add3A_60] : memref<2x320000xi32, #tpu.memory_space<hbm>> -> memref<1x32xi32, #tpu.memory_space<hbm>>
      %dma_wait3A_92 = tpu.memref_squeeze %dma_wait3A_91 : memref<1x32xi32, #tpu.memory_space<hbm>> -> memref<32xi32, #tpu.memory_space<hbm>>
      %dma_wait3A_93 = arith.constant 0 : i32
      %dma_wait3A_94 = tpu.memref_slice %arg6[%run_scoped3A_61, %dma_wait3A_93] : memref<2x6656xi32, #tpu.memory_space<vmem>> -> memref<1x32xi32, #tpu.memory_space<vmem>>
      %dma_wait3A_95 = tpu.memref_squeeze %dma_wait3A_94 : memref<1x32xi32, #tpu.memory_space<vmem>> -> memref<32xi32, #tpu.memory_space<vmem>>
      %dma_wait3A_96 = tpu.memref_slice %arg3[%run_scoped3A, %add3A_60] : memref<2x320000xi32, #tpu.memory_space<hbm>> -> memref<1x32xi32, #tpu.memory_space<hbm>>
      %dma_wait3A_97 = tpu.memref_squeeze %dma_wait3A_96 : memref<1x32xi32, #tpu.memory_space<hbm>> -> memref<32xi32, #tpu.memory_space<hbm>>
      tpu.wait_dma2 semaphore(%run_scoped3A_77 : memref<!tpu.dma_semaphore, #tpu.memory_space<semaphore_mem>>) src(%dma_wait3A_97 : memref<32xi32, #tpu.memory_space<hbm>>) dst(%dma_wait3A_95 : memref<32xi32, #tpu.memory_space<vmem>>)
      tpu.yield
    }) : () -> ()
    %add3A_62 = arith.constant 19968 : i32
    %add3A_63 = arith.addi %mul3A_0, %add3A_62 : i32
    %run_scoped3A_64 = arith.constant 1 : i32
    %run_scoped3A_65 = arith.constant 0 : i32
    "tpu.region"() ({
      %run_scoped3A_77 = tpu.sem_alloc : memref<!tpu.dma_semaphore, #tpu.memory_space<semaphore_mem>>
      %dma_start3A_78 = arith.constant 0 : i32
      %dma_start3A_79 = tpu.memref_slice %arg7[%run_scoped3A_65, %dma_start3A_78] : memref<2x6656xi32, #tpu.memory_space<vmem>> -> memref<1x32xi32, #tpu.memory_space<vmem>>
      %dma_start3A_80 = tpu.memref_squeeze %dma_start3A_79 : memref<1x32xi32, #tpu.memory_space<vmem>> -> memref<32xi32, #tpu.memory_space<vmem>>
      %dma_start3A_81 = tpu.memref_slice %arg3[%run_scoped3A_64, %add3A_63] : memref<2x320000xi32, #tpu.memory_space<hbm>> -> memref<1x32xi32, #tpu.memory_space<hbm>>
      %dma_start3A_82 = tpu.memref_squeeze %dma_start3A_81 : memref<1x32xi32, #tpu.memory_space<hbm>> -> memref<32xi32, #tpu.memory_space<hbm>>
      %dma_start3A_83 = arith.constant 0 : i32
      %dma_start3A_84 = tpu.memref_slice %arg7[%run_scoped3A_65, %dma_start3A_83] : memref<2x6656xi32, #tpu.memory_space<vmem>> -> memref<1x32xi32, #tpu.memory_space<vmem>>
      %dma_start3A_85 = tpu.memref_squeeze %dma_start3A_84 : memref<1x32xi32, #tpu.memory_space<vmem>> -> memref<32xi32, #tpu.memory_space<vmem>>
      %dma_start3A_86 = tpu.memref_slice %arg3[%run_scoped3A_64, %add3A_63] : memref<2x320000xi32, #tpu.memory_space<hbm>> -> memref<1x32xi32, #tpu.memory_space<hbm>>
      %dma_start3A_87 = tpu.memref_squeeze %dma_start3A_86 : memref<1x32xi32, #tpu.memory_space<hbm>> -> memref<32xi32, #tpu.memory_space<hbm>>
      tpu.enqueue_dma source(%dma_start3A_87 : memref<32xi32, #tpu.memory_space<hbm>>) target(%dma_start3A_85 : memref<32xi32, #tpu.memory_space<vmem>>) target_semaphore(%run_scoped3A_77 : memref<!tpu.dma_semaphore, #tpu.memory_space<semaphore_mem>>)
      %dma_wait3A_88 = arith.constant 0 : i32
      %dma_wait3A_89 = tpu.memref_slice %arg7[%run_scoped3A_65, %dma_wait3A_88] : memref<2x6656xi32, #tpu.memory_space<vmem>> -> memref<1x32xi32, #tpu.memory_space<vmem>>
      %dma_wait3A_90 = tpu.memref_squeeze %dma_wait3A_89 : memref<1x32xi32, #tpu.memory_space<vmem>> -> memref<32xi32, #tpu.memory_space<vmem>>
      %dma_wait3A_91 = tpu.memref_slice %arg3[%run_scoped3A_64, %add3A_63] : memref<2x320000xi32, #tpu.memory_space<hbm>> -> memref<1x32xi32, #tpu.memory_space<hbm>>
      %dma_wait3A_92 = tpu.memref_squeeze %dma_wait3A_91 : memref<1x32xi32, #tpu.memory_space<hbm>> -> memref<32xi32, #tpu.memory_space<hbm>>
      %dma_wait3A_93 = arith.constant 0 : i32
      %dma_wait3A_94 = tpu.memref_slice %arg7[%run_scoped3A_65, %dma_wait3A_93] : memref<2x6656xi32, #tpu.memory_space<vmem>> -> memref<1x32xi32, #tpu.memory_space<vmem>>
      %dma_wait3A_95 = tpu.memref_squeeze %dma_wait3A_94 : memref<1x32xi32, #tpu.memory_space<vmem>> -> memref<32xi32, #tpu.memory_space<vmem>>
      %dma_wait3A_96 = tpu.memref_slice %arg3[%run_scoped3A_64, %add3A_63] : memref<2x320000xi32, #tpu.memory_space<hbm>> -> memref<1x32xi32, #tpu.memory_space<hbm>>
      %dma_wait3A_97 = tpu.memref_squeeze %dma_wait3A_96 : memref<1x32xi32, #tpu.memory_space<hbm>> -> memref<32xi32, #tpu.memory_space<hbm>>
      tpu.wait_dma2 semaphore(%run_scoped3A_77 : memref<!tpu.dma_semaphore, #tpu.memory_space<semaphore_mem>>) src(%dma_wait3A_97 : memref<32xi32, #tpu.memory_space<hbm>>) dst(%dma_wait3A_95 : memref<32xi32, #tpu.memory_space<vmem>>)
      tpu.yield
    }) : () -> ()
    %run_scoped3A_66 = arith.constant 0 : i32
    %run_scoped3A_67 = arith.constant 0 : i32
    "tpu.region"() ({
      %run_scoped3A_77 = tpu.sem_alloc : memref<!tpu.dma_semaphore, #tpu.memory_space<semaphore_mem>>
      %dma_start3A_78 = arith.constant 0 : i32
      %dma_start3A_79 = arith.constant 0 : i32
      %dma_start3A_80 = tpu.memref_slice %arg8[%run_scoped3A_67, %dma_start3A_78, %dma_start3A_79] : memref<2x128x64xf32, #tpu.memory_space<vmem>> -> memref<1x32x64xf32, #tpu.memory_space<vmem>>
      %dma_start3A_81 = tpu.memref_squeeze %dma_start3A_80 : memref<1x32x64xf32, #tpu.memory_space<vmem>> -> memref<32x64xf32, #tpu.memory_space<vmem>>
      %dma_start3A_82 = arith.constant 0 : i32
      %dma_start3A_83 = tpu.memref_slice %arg6[%run_scoped3A_66, %dma_start3A_82] : memref<2x6656xi32, #tpu.memory_space<vmem>> -> memref<1x32xi32, #tpu.memory_space<vmem>>
      %dma_start3A_84 = tpu.memref_squeeze %dma_start3A_83 : memref<1x32xi32, #tpu.memory_space<vmem>> -> memref<32xi32, #tpu.memory_space<vmem>>
      %dma_start3A_85 = arith.constant 0 : i32
      %dma_start3A_86 = arith.constant 0 : i32
      %dma_start3A_87 = tpu.memref_slice %arg9[%dma_start3A_85, %dma_start3A_86] : memref<10000x64xf32, #tpu.memory_space<vmem_shared>> -> memref<10000x64xf32, #tpu.memory_space<vmem_shared>>
      tpu.enqueue_indirect_dma source(%dma_start3A_87 : memref<10000x64xf32, #tpu.memory_space<vmem_shared>>) target(%dma_start3A_81 : memref<32x64xf32, #tpu.memory_space<vmem>>) offsets(%dma_start3A_84 : memref<32xi32, #tpu.memory_space<vmem>>) semaphore(%run_scoped3A_77 : memref<!tpu.dma_semaphore, #tpu.memory_space<semaphore_mem>>)
      %dma_wait3A_88 = arith.constant 0 : i32
      %dma_wait3A_89 = arith.constant 0 : i32
      %dma_wait3A_90 = tpu.memref_slice %arg8[%run_scoped3A_67, %dma_wait3A_88, %dma_wait3A_89] : memref<2x128x64xf32, #tpu.memory_space<vmem>> -> memref<1x32x64xf32, #tpu.memory_space<vmem>>
      %dma_wait3A_91 = tpu.memref_squeeze %dma_wait3A_90 : memref<1x32x64xf32, #tpu.memory_space<vmem>> -> memref<32x64xf32, #tpu.memory_space<vmem>>
      %dma_wait3A_92 = arith.constant 0 : i32
      %dma_wait3A_93 = tpu.memref_slice %arg6[%run_scoped3A_66, %dma_wait3A_92] : memref<2x6656xi32, #tpu.memory_space<vmem>> -> memref<1x32xi32, #tpu.memory_space<vmem>>
      %dma_wait3A_94 = tpu.memref_squeeze %dma_wait3A_93 : memref<1x32xi32, #tpu.memory_space<vmem>> -> memref<32xi32, #tpu.memory_space<vmem>>
      %dma_wait3A_95 = arith.constant 0 : i32
      %dma_wait3A_96 = arith.constant 0 : i32
      %dma_wait3A_97 = tpu.memref_slice %arg9[%dma_wait3A_95, %dma_wait3A_96] : memref<10000x64xf32, #tpu.memory_space<vmem_shared>> -> memref<10000x64xf32, #tpu.memory_space<vmem_shared>>
      tpu.wait_indirect_dma semaphore(%run_scoped3A_77 : memref<!tpu.dma_semaphore, #tpu.memory_space<semaphore_mem>>) src(%dma_wait3A_97 : memref<10000x64xf32, #tpu.memory_space<vmem_shared>>) dst(%dma_wait3A_91 : memref<32x64xf32, #tpu.memory_space<vmem>>)
      tpu.yield
    }) : () -> ()
    %run_scoped3A_68 = arith.constant 0 : i32
    %run_scoped3A_69 = arith.constant 0 : i32
    "tpu.region"() ({
      %run_scoped3A_77 = tpu.sem_alloc : memref<!tpu.dma_semaphore, #tpu.memory_space<semaphore_mem>>
      %dma_start3A_78 = arith.constant 0 : i32
      %dma_start3A_79 = arith.constant 0 : i32
      %dma_start3A_80 = tpu.memref_slice %arg8[%run_scoped3A_68, %dma_start3A_78, %dma_start3A_79] : memref<2x128x64xf32, #tpu.memory_space<vmem>> -> memref<1x32x64xf32, #tpu.memory_space<vmem>>
      %dma_start3A_81 = tpu.memref_squeeze %dma_start3A_80 : memref<1x32x64xf32, #tpu.memory_space<vmem>> -> memref<32x64xf32, #tpu.memory_space<vmem>>
      %dma_start3A_82 = arith.constant 0 : i32
      %dma_start3A_83 = tpu.memref_slice %arg7[%run_scoped3A_69, %dma_start3A_82] : memref<2x6656xi32, #tpu.memory_space<vmem>> -> memref<1x32xi32, #tpu.memory_space<vmem>>
      %dma_start3A_84 = tpu.memref_squeeze %dma_start3A_83 : memref<1x32xi32, #tpu.memory_space<vmem>> -> memref<32xi32, #tpu.memory_space<vmem>>
      %dma_start3A_85 = arith.constant 0 : i32
      %dma_start3A_86 = arith.constant 0 : i32
      %dma_start3A_87 = tpu.memref_slice %arg10[%dma_start3A_85, %dma_start3A_86] : memref<10112x64xf32, #tpu.memory_space<vmem_shared>> -> memref<10112x64xf32, #tpu.memory_space<vmem_shared>>
      tpu.enqueue_indirect_dma source(%dma_start3A_81 : memref<32x64xf32, #tpu.memory_space<vmem>>) target(%dma_start3A_87 : memref<10112x64xf32, #tpu.memory_space<vmem_shared>>) offsets(%dma_start3A_84 : memref<32xi32, #tpu.memory_space<vmem>>) semaphore(%run_scoped3A_77 : memref<!tpu.dma_semaphore, #tpu.memory_space<semaphore_mem>>) {add = true}
      %dma_wait3A_88 = arith.constant 0 : i32
      %dma_wait3A_89 = arith.constant 0 : i32
      %dma_wait3A_90 = tpu.memref_slice %arg8[%run_scoped3A_68, %dma_wait3A_88, %dma_wait3A_89] : memref<2x128x64xf32, #tpu.memory_space<vmem>> -> memref<1x32x64xf32, #tpu.memory_space<vmem>>
      %dma_wait3A_91 = tpu.memref_squeeze %dma_wait3A_90 : memref<1x32x64xf32, #tpu.memory_space<vmem>> -> memref<32x64xf32, #tpu.memory_space<vmem>>
      %dma_wait3A_92 = arith.constant 0 : i32
      %dma_wait3A_93 = tpu.memref_slice %arg7[%run_scoped3A_69, %dma_wait3A_92] : memref<2x6656xi32, #tpu.memory_space<vmem>> -> memref<1x32xi32, #tpu.memory_space<vmem>>
      %dma_wait3A_94 = tpu.memref_squeeze %dma_wait3A_93 : memref<1x32xi32, #tpu.memory_space<vmem>> -> memref<32xi32, #tpu.memory_space<vmem>>
      %dma_wait3A_95 = arith.constant 0 : i32
      %dma_wait3A_96 = arith.constant 0 : i32
      %dma_wait3A_97 = tpu.memref_slice %arg10[%dma_wait3A_95, %dma_wait3A_96] : memref<10112x64xf32, #tpu.memory_space<vmem_shared>> -> memref<10112x64xf32, #tpu.memory_space<vmem_shared>>
      tpu.wait_indirect_dma semaphore(%run_scoped3A_77 : memref<!tpu.dma_semaphore, #tpu.memory_space<semaphore_mem>>) src(%dma_wait3A_91 : memref<32x64xf32, #tpu.memory_space<vmem>>) dst(%dma_wait3A_97 : memref<10112x64xf32, #tpu.memory_space<vmem_shared>>)
      tpu.yield
    }) : () -> ()
    %barrier3A_70 = arith.constant 0 : index
    tpu.barrier barrier_id(%barrier3A_70)
    %mul3A_71 = arith.constant 632 : i32
    %mul3A_72 = arith.muli %arg1, %mul3A_71 : i32
    %mul3A_73 = arith.constant 632 : i32
    %mul3A_74 = arith.muli %arg1, %mul3A_73 : i32
    %mul3A_75 = arith.constant 64 : i32
    %mul3A_76 = arith.muli %arg0, %mul3A_75 : i32
    "tpu.region"() ({
      %run_scoped3A_77 = tpu.sem_alloc : memref<!tpu.dma_semaphore, #tpu.memory_space<semaphore_mem>>
      %dma_start3A_78 = tpu.memref_slice %arg5[%mul3A_74, %mul3A_76] : memref<10112x128xf32, #tpu.memory_space<hbm>> -> memref<632x64xf32, #tpu.memory_space<hbm>>
      %dma_start3A_79 = arith.constant 0 : i32
      %dma_start3A_80 = tpu.memref_slice %arg10[%mul3A_72, %dma_start3A_79] : memref<10112x64xf32, #tpu.memory_space<vmem_shared>> -> memref<632x64xf32, #tpu.memory_space<vmem_shared>>
      tpu.enqueue_dma source(%dma_start3A_80 : memref<632x64xf32, #tpu.memory_space<vmem_shared>>) target(%dma_start3A_78 : memref<632x64xf32, #tpu.memory_space<hbm>>) target_semaphore(%run_scoped3A_77 : memref<!tpu.dma_semaphore, #tpu.memory_space<semaphore_mem>>)
      %dma_wait3A_81 = tpu.memref_slice %arg5[%mul3A_74, %mul3A_76] : memref<10112x128xf32, #tpu.memory_space<hbm>> -> memref<632x64xf32, #tpu.memory_space<hbm>>
      %dma_wait3A_82 = arith.constant 0 : i32
      %dma_wait3A_83 = tpu.memref_slice %arg10[%mul3A_72, %dma_wait3A_82] : memref<10112x64xf32, #tpu.memory_space<vmem_shared>> -> memref<632x64xf32, #tpu.memory_space<vmem_shared>>
      tpu.wait_dma2 semaphore(%run_scoped3A_77 : memref<!tpu.dma_semaphore, #tpu.memory_space<semaphore_mem>>) src(%dma_wait3A_83 : memref<632x64xf32, #tpu.memory_space<vmem_shared>>) dst(%dma_wait3A_81 : memref<632x64xf32, #tpu.memory_space<hbm>>)
      tpu.yield
    }) : () -> ()
    return
  }
}

#map = affine_map<(d0, d1) -> (0, 0)>
module attributes {stable_mosaic.version = 14 : i64} {
  func.func @g(%arg0: i32, %arg1: i32, %arg2: memref<10000x128xf32, #tpu.memory_space<hbm>>, %arg3: memref<2x320000xi32, #tpu.memory_space<hbm>>, %arg4: memref<632x128xf32, #tpu.memory_space<hbm>>, %arg5: memref<10112x128xf32, #tpu.memory_space<hbm>>, %arg6: memref<2x6656xi32, #tpu.memory_space<vmem>>, %arg7: memref<2x6656xi32, #tpu.memory_space<vmem>>, %arg8: memref<2x128x64xf32, #tpu.memory_space<vmem>>, %arg9: memref<10000x64xf32, #tpu.memory_space<vmem_shared>>, %arg10: memref<10112x64xf32, #tpu.memory_space<vmem_shared>>, %arg11: memref<!tpu.dma_semaphore, #tpu.memory_space<semaphore_mem>>, %arg12: memref<!tpu.dma_semaphore, #tpu.memory_space<semaphore_mem>>, %arg13: memref<!tpu.dma_semaphore, #tpu.memory_space<semaphore_mem>>) attributes {dimension_semantics = [#tpu.dimension_semantics<core_parallel>, #tpu.dimension_semantics<subcore_parallel>], iteration_bounds = array<i64: 2, 16>, scalar_prefetch = 0 : i64, scratch_operands = 8 : i64, tpu.core_type = #tpu.core_type<sc_vector_subcore>, window_params = [{transform_indices = #map}, {transform_indices = #map}, {transform_indices = #map}, {transform_indices = #map}]} {
    %mul3A = arith.constant 20000 : i32
    %mul3A_0 = arith.muli %arg1, %mul3A : i32
    %dma_start3A = arith.constant 0 : i32
    %dma_start3A_1 = arith.constant 0 : i32
    %dma_start3A_2 = arith.constant 0 : i32
    %dma_start3A_3 = tpu.memref_slice %arg6[%dma_start3A_1, %dma_start3A_2] : memref<2x6656xi32, #tpu.memory_space<vmem>> -> memref<1x6656xi32, #tpu.memory_space<vmem>>
    %dma_start3A_4 = tpu.memref_squeeze %dma_start3A_3 : memref<1x6656xi32, #tpu.memory_space<vmem>> -> memref<6656xi32, #tpu.memory_space<vmem>>
    %dma_start3A_5 = tpu.memref_slice %arg3[%dma_start3A, %mul3A_0] : memref<2x320000xi32, #tpu.memory_space<hbm>> -> memref<1x6656xi32, #tpu.memory_space<hbm>>
    %dma_start3A_6 = tpu.memref_squeeze %dma_start3A_5 : memref<1x6656xi32, #tpu.memory_space<hbm>> -> memref<6656xi32, #tpu.memory_space<hbm>>
    %dma_start3A_7 = arith.constant 0 : i32
    %dma_start3A_8 = tpu.memref_slice %arg6[%dma_start3A_1, %dma_start3A_7] : memref<2x6656xi32, #tpu.memory_space<vmem>> -> memref<1x6656xi32, #tpu.memory_space<vmem>>
    %dma_start3A_9 = tpu.memref_squeeze %dma_start3A_8 : memref<1x6656xi32, #tpu.memory_space<vmem>> -> memref<6656xi32, #tpu.memory_space<vmem>>
    %dma_start3A_10 = tpu.memref_slice %arg3[%dma_start3A, %mul3A_0] : memref<2x320000xi32, #tpu.memory_space<hbm>> -> memref<1x6656xi32, #tpu.memory_space<hbm>>
    %dma_start3A_11 = tpu.memref_squeeze %dma_start3A_10 : memref<1x6656xi32, #tpu.memory_space<hbm>> -> memref<6656xi32, #tpu.memory_space<hbm>>
    tpu.enqueue_dma source(%dma_start3A_11 : memref<6656xi32, #tpu.memory_space<hbm>>) target(%dma_start3A_9 : memref<6656xi32, #tpu.memory_space<vmem>>) target_semaphore(%arg13 : memref<!tpu.dma_semaphore, #tpu.memory_space<semaphore_mem>>)
    %dma_start3A_12 = arith.constant 1 : i32
    %dma_start3A_13 = arith.constant 0 : i32
    %dma_start3A_14 = arith.constant 0 : i32
    %dma_start3A_15 = tpu.memref_slice %arg7[%dma_start3A_13, %dma_start3A_14] : memref<2x6656xi32, #tpu.memory_space<vmem>> -> memref<1x6656xi32, #tpu.memory_space<vmem>>
    %dma_start3A_16 = tpu.memref_squeeze %dma_start3A_15 : memref<1x6656xi32, #tpu.memory_space<vmem>> -> memref<6656xi32, #tpu.memory_space<vmem>>
    %dma_start3A_17 = tpu.memref_slice %arg3[%dma_start3A_12, %mul3A_0] : memref<2x320000xi32, #tpu.memory_space<hbm>> -> memref<1x6656xi32, #tpu.memory_space<hbm>>
    %dma_start3A_18 = tpu.memref_squeeze %dma_start3A_17 : memref<1x6656xi32, #tpu.memory_space<hbm>> -> memref<6656xi32, #tpu.memory_space<hbm>>
    %dma_start3A_19 = arith.constant 0 : i32
    %dma_start3A_20 = tpu.memref_slice %arg7[%dma_start3A_13, %dma_start3A_19] : memref<2x6656xi32, #tpu.memory_space<vmem>> -> memref<1x6656xi32, #tpu.memory_space<vmem>>
    %dma_start3A_21 = tpu.memref_squeeze %dma_start3A_20 : memref<1x6656xi32, #tpu.memory_space<vmem>> -> memref<6656xi32, #tpu.memory_space<vmem>>
    %dma_start3A_22 = tpu.memref_slice %arg3[%dma_start3A_12, %mul3A_0] : memref<2x320000xi32, #tpu.memory_space<hbm>> -> memref<1x6656xi32, #tpu.memory_space<hbm>>
    %dma_start3A_23 = tpu.memref_squeeze %dma_start3A_22 : memref<1x6656xi32, #tpu.memory_space<hbm>> -> memref<6656xi32, #tpu.memory_space<hbm>>
    tpu.enqueue_dma source(%dma_start3A_23 : memref<6656xi32, #tpu.memory_space<hbm>>) target(%dma_start3A_21 : memref<6656xi32, #tpu.memory_space<vmem>>) target_semaphore(%arg13 : memref<!tpu.dma_semaphore, #tpu.memory_space<semaphore_mem>>)
    %mul3A_24 = arith.constant 625 : i32
    %mul3A_25 = arith.muli %arg1, %mul3A_24 : i32
    %mul3A_26 = arith.constant 64 : i32
    %mul3A_27 = arith.muli %arg0, %mul3A_26 : i32
    %mul3A_28 = arith.constant 625 : i32
    %mul3A_29 = arith.muli %arg1, %mul3A_28 : i32
    %dma_start3A_30 = arith.constant 0 : i32
    %dma_start3A_31 = tpu.memref_slice %arg9[%mul3A_29, %dma_start3A_30] : memref<10000x64xf32, #tpu.memory_space<vmem_shared>> -> memref<625x64xf32, #tpu.memory_space<vmem_shared>>
    %dma_start3A_32 = tpu.memref_slice %arg2[%mul3A_25, %mul3A_27] : memref<10000x128xf32, #tpu.memory_space<hbm>> -> memref<625x64xf32, #tpu.memory_space<hbm>>
    tpu.enqueue_dma source(%dma_start3A_32 : memref<625x64xf32, #tpu.memory_space<hbm>>) target(%dma_start3A_31 : memref<625x64xf32, #tpu.memory_space<vmem_shared>>) target_semaphore(%arg11 : memref<!tpu.dma_semaphore, #tpu.memory_space<semaphore_mem>>)
    %mul3A_33 = arith.constant 632 : i32
    %mul3A_34 = arith.muli %arg1, %mul3A_33 : i32
    %dma_start3A_35 = arith.constant 0 : i32
    %dma_start3A_36 = tpu.memref_slice %arg10[%mul3A_34, %dma_start3A_35] : memref<10112x64xf32, #tpu.memory_space<vmem_shared>> -> memref<632x64xf32, #tpu.memory_space<vmem_shared>>
    %dma_start3A_37 = arith.constant 0 : i32
    %dma_start3A_38 = arith.constant 0 : i32
    %dma_start3A_39 = tpu.memref_slice %arg4[%dma_start3A_37, %dma_start3A_38] : memref<632x128xf32, #tpu.memory_space<hbm>> -> memref<632x64xf32, #tpu.memory_space<hbm>>
    tpu.enqueue_dma source(%dma_start3A_39 : memref<632x64xf32, #tpu.memory_space<hbm>>) target(%dma_start3A_36 : memref<632x64xf32, #tpu.memory_space<vmem_shared>>) target_semaphore(%arg12 : memref<!tpu.dma_semaphore, #tpu.memory_space<semaphore_mem>>)
    %mul3A_40 = arith.constant 625 : i32
    %mul3A_41 = arith.muli %arg1, %mul3A_40 : i32
    %mul3A_42 = arith.constant 64 : i32
    %mul3A_43 = arith.muli %arg0, %mul3A_42 : i32
    %mul3A_44 = arith.constant 625 : i32
    %mul3A_45 = arith.muli %arg1, %mul3A_44 : i32
    %dma_wait3A = arith.constant 0 : i32
    %dma_wait3A_46 = tpu.memref_slice %arg9[%mul3A_45, %dma_wait3A] : memref<10000x64xf32, #tpu.memory_space<vmem_shared>> -> memref<625x64xf32, #tpu.memory_space<vmem_shared>>
    %dma_wait3A_47 = tpu.memref_slice %arg2[%mul3A_41, %mul3A_43] : memref<10000x128xf32, #tpu.memory_space<hbm>> -> memref<625x64xf32, #tpu.memory_space<hbm>>
    tpu.wait_dma2 semaphore(%arg11 : memref<!tpu.dma_semaphore, #tpu.memory_space<semaphore_mem>>) src(%dma_wait3A_47 : memref<625x64xf32, #tpu.memory_space<hbm>>) dst(%dma_wait3A_46 : memref<625x64xf32, #tpu.memory_space<vmem_shared>>)
    %mul3A_48 = arith.constant 632 : i32
    %mul3A_49 = arith.muli %arg1, %mul3A_48 : i32
    %dma_wait3A_50 = arith.constant 0 : i32
    %dma_wait3A_51 = tpu.memref_slice %arg10[%mul3A_49, %dma_wait3A_50] : memref<10112x64xf32, #tpu.memory_space<vmem_shared>> -> memref<632x64xf32, #tpu.memory_space<vmem_shared>>
    %dma_wait3A_52 = arith.constant 0 : i32
    %dma_wait3A_53 = arith.constant 0 : i32
    %dma_wait3A_54 = tpu.memref_slice %arg4[%dma_wait3A_52, %dma_wait3A_53] : memref<632x128xf32, #tpu.memory_space<hbm>> -> memref<632x64xf32, #tpu.memory_space<hbm>>
    tpu.wait_dma2 semaphore(%arg12 : memref<!tpu.dma_semaphore, #tpu.memory_space<semaphore_mem>>) src(%dma_wait3A_54 : memref<632x64xf32, #tpu.memory_space<hbm>>) dst(%dma_wait3A_51 : memref<632x64xf32, #tpu.memory_space<vmem_shared>>)
    %barrier3A = arith.constant 0 : index
    tpu.barrier barrier_id(%barrier3A)
    %scan3A = arith.constant 0 : i32
    %scan3A_55 = arith.constant 0 : i32
    %scan3A_56 = arith.constant 3 : i32
    %scan3A_57 = arith.addi %scan3A_55, %scan3A_56 : i32
    %scan3A_58 = arith.constant 1 : i32
    scf.for %scan3A_77 = %scan3A_55 to %scan3A_57 step %scan3A_58  : i32 {
      %rem3A = arith.constant 2 : i32
      %rem3A_78 = arith.remsi %scan3A_77, %rem3A : i32
      %dma_wait3A_79 = arith.constant 0 : i32
      %dma_wait3A_80 = arith.constant 0 : i32
      %dma_wait3A_81 = tpu.memref_slice %arg6[%rem3A_78, %dma_wait3A_80] : memref<2x6656xi32, #tpu.memory_space<vmem>> -> memref<1x6656xi32, #tpu.memory_space<vmem>>
      %dma_wait3A_82 = tpu.memref_squeeze %dma_wait3A_81 : memref<1x6656xi32, #tpu.memory_space<vmem>> -> memref<6656xi32, #tpu.memory_space<vmem>>
      %dma_wait3A_83 = tpu.memref_slice %arg3[%dma_wait3A_79, %mul3A_0] : memref<2x320000xi32, #tpu.memory_space<hbm>> -> memref<1x6656xi32, #tpu.memory_space<hbm>>
      %dma_wait3A_84 = tpu.memref_squeeze %dma_wait3A_83 : memref<1x6656xi32, #tpu.memory_space<hbm>> -> memref<6656xi32, #tpu.memory_space<hbm>>
      %dma_wait3A_85 = arith.constant 0 : i32
      %dma_wait3A_86 = tpu.memref_slice %arg6[%rem3A_78, %dma_wait3A_85] : memref<2x6656xi32, #tpu.memory_space<vmem>> -> memref<1x6656xi32, #tpu.memory_space<vmem>>
      %dma_wait3A_87 = tpu.memref_squeeze %dma_wait3A_86 : memref<1x6656xi32, #tpu.memory_space<vmem>> -> memref<6656xi32, #tpu.memory_space<vmem>>
      %dma_wait3A_88 = tpu.memref_slice %arg3[%dma_wait3A_79, %mul3A_0] : memref<2x320000xi32, #tpu.memory_space<hbm>> -> memref<1x6656xi32, #tpu.memory_space<hbm>>
      %dma_wait3A_89 = tpu.memref_squeeze %dma_wait3A_88 : memref<1x6656xi32, #tpu.memory_space<hbm>> -> memref<6656xi32, #tpu.memory_space<hbm>>
      tpu.wait_dma2 semaphore(%arg13 : memref<!tpu.dma_semaphore, #tpu.memory_space<semaphore_mem>>) src(%dma_wait3A_89 : memref<6656xi32, #tpu.memory_space<hbm>>) dst(%dma_wait3A_87 : memref<6656xi32, #tpu.memory_space<vmem>>)
      %dma_wait3A_90 = arith.constant 1 : i32
      %dma_wait3A_91 = arith.constant 0 : i32
      %dma_wait3A_92 = tpu.memref_slice %arg7[%rem3A_78, %dma_wait3A_91] : memref<2x6656xi32, #tpu.memory_space<vmem>> -> memref<1x6656xi32, #tpu.memory_space<vmem>>
      %dma_wait3A_93 = tpu.memref_squeeze %dma_wait3A_92 : memref<1x6656xi32, #tpu.memory_space<vmem>> -> memref<6656xi32, #tpu.memory_space<vmem>>
      %dma_wait3A_94 = tpu.memref_slice %arg3[%dma_wait3A_90, %mul3A_0] : memref<2x320000xi32, #tpu.memory_space<hbm>> -> memref<1x6656xi32, #tpu.memory_space<hbm>>
      %dma_wait3A_95 = tpu.memref_squeeze %dma_wait3A_94 : memref<1x6656xi32, #tpu.memory_space<hbm>> -> memref<6656xi32, #tpu.memory_space<hbm>>
      %dma_wait3A_96 = arith.constant 0 : i32
      %dma_wait3A_97 = tpu.memref_slice %arg7[%rem3A_78, %dma_wait3A_96] : memref<2x6656xi32, #tpu.memory_space<vmem>> -> memref<1x6656xi32, #tpu.memory_space<vmem>>
      %dma_wait3A_98 = tpu.memref_squeeze %dma_wait3A_97 : memref<1x6656xi32, #tpu.memory_space<vmem>> -> memref<6656xi32, #tpu.memory_space<vmem>>
      %dma_wait3A_99 = tpu.memref_slice %arg3[%dma_wait3A_90, %mul3A_0] : memref<2x320000xi32, #tpu.memory_space<hbm>> -> memref<1x6656xi32, #tpu.memory_space<hbm>>
      %dma_wait3A_100 = tpu.memref_squeeze %dma_wait3A_99 : memref<1x6656xi32, #tpu.memory_space<hbm>> -> memref<6656xi32, #tpu.memory_space<hbm>>
      tpu.wait_dma2 semaphore(%arg13 : memref<!tpu.dma_semaphore, #tpu.memory_space<semaphore_mem>>) src(%dma_wait3A_100 : memref<6656xi32, #tpu.memory_space<hbm>>) dst(%dma_wait3A_98 : memref<6656xi32, #tpu.memory_space<vmem>>)
      %dma_start3A_101 = arith.constant 0 : i32
      %dma_start3A_102 = arith.constant 0 : i32
      %dma_start3A_103 = arith.constant 0 : i32
      %dma_start3A_104 = tpu.memref_slice %arg8[%dma_start3A_101, %dma_start3A_102, %dma_start3A_103] : memref<2x128x64xf32, #tpu.memory_space<vmem>> -> memref<1x128x64xf32, #tpu.memory_space<vmem>>
      %dma_start3A_105 = tpu.memref_squeeze %dma_start3A_104 : memref<1x128x64xf32, #tpu.memory_space<vmem>> -> memref<128x64xf32, #tpu.memory_space<vmem>>
      %dma_start3A_106 = arith.constant 0 : i32
      %dma_start3A_107 = tpu.memref_slice %arg6[%rem3A_78, %dma_start3A_106] : memref<2x6656xi32, #tpu.memory_space<vmem>> -> memref<1x128xi32, #tpu.memory_space<vmem>>
      %dma_start3A_108 = tpu.memref_squeeze %dma_start3A_107 : memref<1x128xi32, #tpu.memory_space<vmem>> -> memref<128xi32, #tpu.memory_space<vmem>>
      %dma_start3A_109 = arith.constant 0 : i32
      %dma_start3A_110 = arith.constant 0 : i32
      %dma_start3A_111 = tpu.memref_slice %arg9[%dma_start3A_109, %dma_start3A_110] : memref<10000x64xf32, #tpu.memory_space<vmem_shared>> -> memref<10000x64xf32, #tpu.memory_space<vmem_shared>>
      tpu.enqueue_indirect_dma source(%dma_start3A_111 : memref<10000x64xf32, #tpu.memory_space<vmem_shared>>) target(%dma_start3A_105 : memref<128x64xf32, #tpu.memory_space<vmem>>) offsets(%dma_start3A_108 : memref<128xi32, #tpu.memory_space<vmem>>) semaphore(%arg11 : memref<!tpu.dma_semaphore, #tpu.memory_space<semaphore_mem>>)
      %dma_start3A_112 = arith.constant 1 : i32
      %dma_start3A_113 = arith.constant 0 : i32
      %dma_start3A_114 = arith.constant 0 : i32
      %dma_start3A_115 = tpu.memref_slice %arg8[%dma_start3A_112, %dma_start3A_113, %dma_start3A_114] : memref<2x128x64xf32, #tpu.memory_space<vmem>> -> memref<1x128x64xf32, #tpu.memory_space<vmem>>
      %dma_start3A_116 = tpu.memref_squeeze %dma_start3A_115 : memref<1x128x64xf32, #tpu.memory_space<vmem>> -> memref<128x64xf32, #tpu.memory_space<vmem>>
      %dma_start3A_117 = arith.constant 128 : i32
      %dma_start3A_118 = tpu.memref_slice %arg6[%rem3A_78, %dma_start3A_117] : memref<2x6656xi32, #tpu.memory_space<vmem>> -> memref<1x128xi32, #tpu.memory_space<vmem>>
      %dma_start3A_119 = tpu.memref_squeeze %dma_start3A_118 : memref<1x128xi32, #tpu.memory_space<vmem>> -> memref<128xi32, #tpu.memory_space<vmem>>
      %dma_start3A_120 = arith.constant 0 : i32
      %dma_start3A_121 = arith.constant 0 : i32
      %dma_start3A_122 = tpu.memref_slice %arg9[%dma_start3A_120, %dma_start3A_121] : memref<10000x64xf32, #tpu.memory_space<vmem_shared>> -> memref<10000x64xf32, #tpu.memory_space<vmem_shared>>
      tpu.enqueue_indirect_dma source(%dma_start3A_122 : memref<10000x64xf32, #tpu.memory_space<vmem_shared>>) target(%dma_start3A_116 : memref<128x64xf32, #tpu.memory_space<vmem>>) offsets(%dma_start3A_119 : memref<128xi32, #tpu.memory_space<vmem>>) semaphore(%arg12 : memref<!tpu.dma_semaphore, #tpu.memory_space<semaphore_mem>>)
      %add3A_123 = arith.constant 1 : i32
      %add3A_124 = arith.addi %scan3A_77, %add3A_123 : i32
      %lt3A = arith.constant 3 : i32
      %lt3A_125 = arith.cmpi slt, %add3A_124, %lt3A : i32
      %convert_element_type3A = arith.extui %lt3A_125 : i1 to i32
      %cond3A = arith.constant 0 : i32
      %cond3A_126 = arith.cmpi ne, %convert_element_type3A, %cond3A : i32
      scf.if %cond3A_126 {
        %add3A_157 = arith.constant 1 : i32
        %add3A_158 = arith.addi %scan3A_77, %add3A_157 : i32
        %mul3A_159 = arith.constant 52 : i32
        %mul3A_160 = arith.muli %add3A_158, %mul3A_159 : i32
        %mul3A_161 = arith.constant 128 : i32
        %mul3A_162 = arith.muli %mul3A_160, %mul3A_161 : i32
        %add3A_163 = arith.addi %mul3A_0, %mul3A_162 : i32
        %sub3A = arith.constant 1 : i32
        %sub3A_164 = arith.subi %sub3A, %rem3A_78 : i32
        %dma_start3A_165 = arith.constant 0 : i32
        %dma_start3A_166 = arith.constant 0 : i32
        %dma_start3A_167 = tpu.memref_slice %arg6[%sub3A_164, %dma_start3A_166] : memref<2x6656xi32, #tpu.memory_space<vmem>> -> memref<1x6656xi32, #tpu.memory_space<vmem>>
        %dma_start3A_168 = tpu.memref_squeeze %dma_start3A_167 : memref<1x6656xi32, #tpu.memory_space<vmem>> -> memref<6656xi32, #tpu.memory_space<vmem>>
        %dma_start3A_169 = tpu.memref_slice %arg3[%dma_start3A_165, %add3A_163] : memref<2x320000xi32, #tpu.memory_space<hbm>> -> memref<1x6656xi32, #tpu.memory_space<hbm>>
        %dma_start3A_170 = tpu.memref_squeeze %dma_start3A_169 : memref<1x6656xi32, #tpu.memory_space<hbm>> -> memref<6656xi32, #tpu.memory_space<hbm>>
        %dma_start3A_171 = arith.constant 0 : i32
        %dma_start3A_172 = tpu.memref_slice %arg6[%sub3A_164, %dma_start3A_171] : memref<2x6656xi32, #tpu.memory_space<vmem>> -> memref<1x6656xi32, #tpu.memory_space<vmem>>
        %dma_start3A_173 = tpu.memref_squeeze %dma_start3A_172 : memref<1x6656xi32, #tpu.memory_space<vmem>> -> memref<6656xi32, #tpu.memory_space<vmem>>
        %dma_start3A_174 = tpu.memref_slice %arg3[%dma_start3A_165, %add3A_163] : memref<2x320000xi32, #tpu.memory_space<hbm>> -> memref<1x6656xi32, #tpu.memory_space<hbm>>
        %dma_start3A_175 = tpu.memref_squeeze %dma_start3A_174 : memref<1x6656xi32, #tpu.memory_space<hbm>> -> memref<6656xi32, #tpu.memory_space<hbm>>
        tpu.enqueue_dma source(%dma_start3A_175 : memref<6656xi32, #tpu.memory_space<hbm>>) target(%dma_start3A_173 : memref<6656xi32, #tpu.memory_space<vmem>>) target_semaphore(%arg13 : memref<!tpu.dma_semaphore, #tpu.memory_space<semaphore_mem>>)
        %sub3A_176 = arith.constant 1 : i32
        %sub3A_177 = arith.subi %sub3A_176, %rem3A_78 : i32
        %dma_start3A_178 = arith.constant 1 : i32
        %dma_start3A_179 = arith.constant 0 : i32
        %dma_start3A_180 = tpu.memref_slice %arg7[%sub3A_177, %dma_start3A_179] : memref<2x6656xi32, #tpu.memory_space<vmem>> -> memref<1x6656xi32, #tpu.memory_space<vmem>>
        %dma_start3A_181 = tpu.memref_squeeze %dma_start3A_180 : memref<1x6656xi32, #tpu.memory_space<vmem>> -> memref<6656xi32, #tpu.memory_space<vmem>>
        %dma_start3A_182 = tpu.memref_slice %arg3[%dma_start3A_178, %add3A_163] : memref<2x320000xi32, #tpu.memory_space<hbm>> -> memref<1x6656xi32, #tpu.memory_space<hbm>>
        %dma_start3A_183 = tpu.memref_squeeze %dma_start3A_182 : memref<1x6656xi32, #tpu.memory_space<hbm>> -> memref<6656xi32, #tpu.memory_space<hbm>>
        %dma_start3A_184 = arith.constant 0 : i32
        %dma_start3A_185 = tpu.memref_slice %arg7[%sub3A_177, %dma_start3A_184] : memref<2x6656xi32, #tpu.memory_space<vmem>> -> memref<1x6656xi32, #tpu.memory_space<vmem>>
        %dma_start3A_186 = tpu.memref_squeeze %dma_start3A_185 : memref<1x6656xi32, #tpu.memory_space<vmem>> -> memref<6656xi32, #tpu.memory_space<vmem>>
        %dma_start3A_187 = tpu.memref_slice %arg3[%dma_start3A_178, %add3A_163] : memref<2x320000xi32, #tpu.memory_space<hbm>> -> memref<1x6656xi32, #tpu.memory_space<hbm>>
        %dma_start3A_188 = tpu.memref_squeeze %dma_start3A_187 : memref<1x6656xi32, #tpu.memory_space<hbm>> -> memref<6656xi32, #tpu.memory_space<hbm>>
        tpu.enqueue_dma source(%dma_start3A_188 : memref<6656xi32, #tpu.memory_space<hbm>>) target(%dma_start3A_186 : memref<6656xi32, #tpu.memory_space<vmem>>) target_semaphore(%arg13 : memref<!tpu.dma_semaphore, #tpu.memory_space<semaphore_mem>>)
      } else {
      }
      %scan3A_127 = arith.constant 0 : i32
      %scan3A_128 = arith.constant 0 : i32
      %scan3A_129 = arith.constant 25 : i32
      %scan3A_130 = arith.addi %scan3A_128, %scan3A_129 : i32
      %scan3A_131 = arith.constant 1 : i32
      scf.for %scan3A_157 = %scan3A_128 to %scan3A_130 step %scan3A_131  : i32 {
        %mul3A_158 = arith.constant 2 : i32
        %mul3A_159 = arith.muli %mul3A_158, %scan3A_157 : i32
        %add3A_160 = arith.constant 0 : i32
        %add3A_161 = arith.addi %mul3A_159, %add3A_160 : i32
        %mul3A_162 = arith.constant 128 : i32
        %mul3A_163 = arith.muli %add3A_161, %mul3A_162 : i32
        %dma_wait3A_164 = arith.constant 0 : i32
        %dma_wait3A_165 = arith.constant 0 : i32
        %dma_wait3A_166 = arith.constant 0 : i32
        %dma_wait3A_167 = tpu.memref_slice %arg8[%dma_wait3A_164, %dma_wait3A_165, %dma_wait3A_166] : memref<2x128x64xf32, #tpu.memory_space<vmem>> -> memref<1x128x64xf32, #tpu.memory_space<vmem>>
        %dma_wait3A_168 = tpu.memref_squeeze %dma_wait3A_167 : memref<1x128x64xf32, #tpu.memory_space<vmem>> -> memref<128x64xf32, #tpu.memory_space<vmem>>
        %dma_wait3A_169 = tpu.memref_slice %arg6[%rem3A_78, %mul3A_163] : memref<2x6656xi32, #tpu.memory_space<vmem>> -> memref<1x128xi32, #tpu.memory_space<vmem>>
        %dma_wait3A_170 = tpu.memref_squeeze %dma_wait3A_169 : memref<1x128xi32, #tpu.memory_space<vmem>> -> memref<128xi32, #tpu.memory_space<vmem>>
        %dma_wait3A_171 = arith.constant 0 : i32
        %dma_wait3A_172 = arith.constant 0 : i32
        %dma_wait3A_173 = tpu.memref_slice %arg9[%dma_wait3A_171, %dma_wait3A_172] : memref<10000x64xf32, #tpu.memory_space<vmem_shared>> -> memref<10000x64xf32, #tpu.memory_space<vmem_shared>>
        tpu.wait_indirect_dma semaphore(%arg11 : memref<!tpu.dma_semaphore, #tpu.memory_space<semaphore_mem>>) src(%dma_wait3A_173 : memref<10000x64xf32, #tpu.memory_space<vmem_shared>>) dst(%dma_wait3A_168 : memref<128x64xf32, #tpu.memory_space<vmem>>)
        %mul3A_174 = arith.constant 128 : i32
        %mul3A_175 = arith.muli %add3A_161, %mul3A_174 : i32
        %run_scoped3A_176 = arith.constant 0 : i32
        "tpu.region"() ({
          %run_scoped3A_222 = tpu.sem_alloc : memref<!tpu.dma_semaphore, #tpu.memory_space<semaphore_mem>>
          %dma_start3A_223 = arith.constant 0 : i32
          %dma_start3A_224 = arith.constant 0 : i32
          %dma_start3A_225 = tpu.memref_slice %arg8[%run_scoped3A_176, %dma_start3A_223, %dma_start3A_224] : memref<2x128x64xf32, #tpu.memory_space<vmem>> -> memref<1x128x64xf32, #tpu.memory_space<vmem>>
          %dma_start3A_226 = tpu.memref_squeeze %dma_start3A_225 : memref<1x128x64xf32, #tpu.memory_space<vmem>> -> memref<128x64xf32, #tpu.memory_space<vmem>>
          %dma_start3A_227 = tpu.memref_slice %arg7[%rem3A_78, %mul3A_175] : memref<2x6656xi32, #tpu.memory_space<vmem>> -> memref<1x128xi32, #tpu.memory_space<vmem>>
          %dma_start3A_228 = tpu.memref_squeeze %dma_start3A_227 : memref<1x128xi32, #tpu.memory_space<vmem>> -> memref<128xi32, #tpu.memory_space<vmem>>
          %dma_start3A_229 = arith.constant 0 : i32
          %dma_start3A_230 = arith.constant 0 : i32
          %dma_start3A_231 = tpu.memref_slice %arg10[%dma_start3A_229, %dma_start3A_230] : memref<10112x64xf32, #tpu.memory_space<vmem_shared>> -> memref<10112x64xf32, #tpu.memory_space<vmem_shared>>
          tpu.enqueue_indirect_dma source(%dma_start3A_226 : memref<128x64xf32, #tpu.memory_space<vmem>>) target(%dma_start3A_231 : memref<10112x64xf32, #tpu.memory_space<vmem_shared>>) offsets(%dma_start3A_228 : memref<128xi32, #tpu.memory_space<vmem>>) semaphore(%run_scoped3A_222 : memref<!tpu.dma_semaphore, #tpu.memory_space<semaphore_mem>>) {add = true}
          %dma_wait3A_232 = arith.constant 0 : i32
          %dma_wait3A_233 = arith.constant 0 : i32
          %dma_wait3A_234 = tpu.memref_slice %arg8[%run_scoped3A_176, %dma_wait3A_232, %dma_wait3A_233] : memref<2x128x64xf32, #tpu.memory_space<vmem>> -> memref<1x128x64xf32, #tpu.memory_space<vmem>>
          %dma_wait3A_235 = tpu.memref_squeeze %dma_wait3A_234 : memref<1x128x64xf32, #tpu.memory_space<vmem>> -> memref<128x64xf32, #tpu.memory_space<vmem>>
          %dma_wait3A_236 = tpu.memref_slice %arg7[%rem3A_78, %mul3A_175] : memref<2x6656xi32, #tpu.memory_space<vmem>> -> memref<1x128xi32, #tpu.memory_space<vmem>>
          %dma_wait3A_237 = tpu.memref_squeeze %dma_wait3A_236 : memref<1x128xi32, #tpu.memory_space<vmem>> -> memref<128xi32, #tpu.memory_space<vmem>>
          %dma_wait3A_238 = arith.constant 0 : i32
          %dma_wait3A_239 = arith.constant 0 : i32
          %dma_wait3A_240 = tpu.memref_slice %arg10[%dma_wait3A_238, %dma_wait3A_239] : memref<10112x64xf32, #tpu.memory_space<vmem_shared>> -> memref<10112x64xf32, #tpu.memory_space<vmem_shared>>
          tpu.wait_indirect_dma semaphore(%run_scoped3A_222 : memref<!tpu.dma_semaphore, #tpu.memory_space<semaphore_mem>>) src(%dma_wait3A_235 : memref<128x64xf32, #tpu.memory_space<vmem>>) dst(%dma_wait3A_240 : memref<10112x64xf32, #tpu.memory_space<vmem_shared>>)
          tpu.yield
        }) : () -> ()
        %add3A_177 = arith.constant 2 : i32
        %add3A_178 = arith.addi %add3A_161, %add3A_177 : i32
        %mul3A_179 = arith.constant 128 : i32
        %mul3A_180 = arith.muli %add3A_178, %mul3A_179 : i32
        %dma_start3A_181 = arith.constant 0 : i32
        %dma_start3A_182 = arith.constant 0 : i32
        %dma_start3A_183 = arith.constant 0 : i32
        %dma_start3A_184 = tpu.memref_slice %arg8[%dma_start3A_181, %dma_start3A_182, %dma_start3A_183] : memref<2x128x64xf32, #tpu.memory_space<vmem>> -> memref<1x128x64xf32, #tpu.memory_space<vmem>>
        %dma_start3A_185 = tpu.memref_squeeze %dma_start3A_184 : memref<1x128x64xf32, #tpu.memory_space<vmem>> -> memref<128x64xf32, #tpu.memory_space<vmem>>
        %dma_start3A_186 = tpu.memref_slice %arg6[%rem3A_78, %mul3A_180] : memref<2x6656xi32, #tpu.memory_space<vmem>> -> memref<1x128xi32, #tpu.memory_space<vmem>>
        %dma_start3A_187 = tpu.memref_squeeze %dma_start3A_186 : memref<1x128xi32, #tpu.memory_space<vmem>> -> memref<128xi32, #tpu.memory_space<vmem>>
        %dma_start3A_188 = arith.constant 0 : i32
        %dma_start3A_189 = arith.constant 0 : i32
        %dma_start3A_190 = tpu.memref_slice %arg9[%dma_start3A_188, %dma_start3A_189] : memref<10000x64xf32, #tpu.memory_space<vmem_shared>> -> memref<10000x64xf32, #tpu.memory_space<vmem_shared>>
        tpu.enqueue_indirect_dma source(%dma_start3A_190 : memref<10000x64xf32, #tpu.memory_space<vmem_shared>>) target(%dma_start3A_185 : memref<128x64xf32, #tpu.memory_space<vmem>>) offsets(%dma_start3A_187 : memref<128xi32, #tpu.memory_space<vmem>>) semaphore(%arg11 : memref<!tpu.dma_semaphore, #tpu.memory_space<semaphore_mem>>)
        %add3A_191 = arith.constant 1 : i32
        %add3A_192 = arith.addi %mul3A_159, %add3A_191 : i32
        %mul3A_193 = arith.constant 128 : i32
        %mul3A_194 = arith.muli %add3A_192, %mul3A_193 : i32
        %dma_wait3A_195 = arith.constant 1 : i32
        %dma_wait3A_196 = arith.constant 0 : i32
        %dma_wait3A_197 = arith.constant 0 : i32
        %dma_wait3A_198 = tpu.memref_slice %arg8[%dma_wait3A_195, %dma_wait3A_196, %dma_wait3A_197] : memref<2x128x64xf32, #tpu.memory_space<vmem>> -> memref<1x128x64xf32, #tpu.memory_space<vmem>>
        %dma_wait3A_199 = tpu.memref_squeeze %dma_wait3A_198 : memref<1x128x64xf32, #tpu.memory_space<vmem>> -> memref<128x64xf32, #tpu.memory_space<vmem>>
        %dma_wait3A_200 = tpu.memref_slice %arg6[%rem3A_78, %mul3A_194] : memref<2x6656xi32, #tpu.memory_space<vmem>> -> memref<1x128xi32, #tpu.memory_space<vmem>>
        %dma_wait3A_201 = tpu.memref_squeeze %dma_wait3A_200 : memref<1x128xi32, #tpu.memory_space<vmem>> -> memref<128xi32, #tpu.memory_space<vmem>>
        %dma_wait3A_202 = arith.constant 0 : i32
        %dma_wait3A_203 = arith.constant 0 : i32
        %dma_wait3A_204 = tpu.memref_slice %arg9[%dma_wait3A_202, %dma_wait3A_203] : memref<10000x64xf32, #tpu.memory_space<vmem_shared>> -> memref<10000x64xf32, #tpu.memory_space<vmem_shared>>
        tpu.wait_indirect_dma semaphore(%arg12 : memref<!tpu.dma_semaphore, #tpu.memory_space<semaphore_mem>>) src(%dma_wait3A_204 : memref<10000x64xf32, #tpu.memory_space<vmem_shared>>) dst(%dma_wait3A_199 : memref<128x64xf32, #tpu.memory_space<vmem>>)
        %mul3A_205 = arith.constant 128 : i32
        %mul3A_206 = arith.muli %add3A_192, %mul3A_205 : i32
        %run_scoped3A_207 = arith.constant 1 : i32
        "tpu.region"() ({
          %run_scoped3A_222 = tpu.sem_alloc : memref<!tpu.dma_semaphore, #tpu.memory_space<semaphore_mem>>
          %dma_start3A_223 = arith.constant 0 : i32
          %dma_start3A_224 = arith.constant 0 : i32
          %dma_start3A_225 = tpu.memref_slice %arg8[%run_scoped3A_207, %dma_start3A_223, %dma_start3A_224] : memref<2x128x64xf32, #tpu.memory_space<vmem>> -> memref<1x128x64xf32, #tpu.memory_space<vmem>>
          %dma_start3A_226 = tpu.memref_squeeze %dma_start3A_225 : memref<1x128x64xf32, #tpu.memory_space<vmem>> -> memref<128x64xf32, #tpu.memory_space<vmem>>
          %dma_start3A_227 = tpu.memref_slice %arg7[%rem3A_78, %mul3A_206] : memref<2x6656xi32, #tpu.memory_space<vmem>> -> memref<1x128xi32, #tpu.memory_space<vmem>>
          %dma_start3A_228 = tpu.memref_squeeze %dma_start3A_227 : memref<1x128xi32, #tpu.memory_space<vmem>> -> memref<128xi32, #tpu.memory_space<vmem>>
          %dma_start3A_229 = arith.constant 0 : i32
          %dma_start3A_230 = arith.constant 0 : i32
          %dma_start3A_231 = tpu.memref_slice %arg10[%dma_start3A_229, %dma_start3A_230] : memref<10112x64xf32, #tpu.memory_space<vmem_shared>> -> memref<10112x64xf32, #tpu.memory_space<vmem_shared>>
          tpu.enqueue_indirect_dma source(%dma_start3A_226 : memref<128x64xf32, #tpu.memory_space<vmem>>) target(%dma_start3A_231 : memref<10112x64xf32, #tpu.memory_space<vmem_shared>>) offsets(%dma_start3A_228 : memref<128xi32, #tpu.memory_space<vmem>>) semaphore(%run_scoped3A_222 : memref<!tpu.dma_semaphore, #tpu.memory_space<semaphore_mem>>) {add = true}
          %dma_wait3A_232 = arith.constant 0 : i32
          %dma_wait3A_233 = arith.constant 0 : i32
          %dma_wait3A_234 = tpu.memref_slice %arg8[%run_scoped3A_207, %dma_wait3A_232, %dma_wait3A_233] : memref<2x128x64xf32, #tpu.memory_space<vmem>> -> memref<1x128x64xf32, #tpu.memory_space<vmem>>
          %dma_wait3A_235 = tpu.memref_squeeze %dma_wait3A_234 : memref<1x128x64xf32, #tpu.memory_space<vmem>> -> memref<128x64xf32, #tpu.memory_space<vmem>>
          %dma_wait3A_236 = tpu.memref_slice %arg7[%rem3A_78, %mul3A_206] : memref<2x6656xi32, #tpu.memory_space<vmem>> -> memref<1x128xi32, #tpu.memory_space<vmem>>
          %dma_wait3A_237 = tpu.memref_squeeze %dma_wait3A_236 : memref<1x128xi32, #tpu.memory_space<vmem>> -> memref<128xi32, #tpu.memory_space<vmem>>
          %dma_wait3A_238 = arith.constant 0 : i32
          %dma_wait3A_239 = arith.constant 0 : i32
          %dma_wait3A_240 = tpu.memref_slice %arg10[%dma_wait3A_238, %dma_wait3A_239] : memref<10112x64xf32, #tpu.memory_space<vmem_shared>> -> memref<10112x64xf32, #tpu.memory_space<vmem_shared>>
          tpu.wait_indirect_dma semaphore(%run_scoped3A_222 : memref<!tpu.dma_semaphore, #tpu.memory_space<semaphore_mem>>) src(%dma_wait3A_235 : memref<128x64xf32, #tpu.memory_space<vmem>>) dst(%dma_wait3A_240 : memref<10112x64xf32, #tpu.memory_space<vmem_shared>>)
          tpu.yield
        }) : () -> ()
        %add3A_208 = arith.constant 2 : i32
        %add3A_209 = arith.addi %add3A_192, %add3A_208 : i32
        %mul3A_210 = arith.constant 128 : i32
        %mul3A_211 = arith.muli %add3A_209, %mul3A_210 : i32
        %dma_start3A_212 = arith.constant 1 : i32
        %dma_start3A_213 = arith.constant 0 : i32
        %dma_start3A_214 = arith.constant 0 : i32
        %dma_start3A_215 = tpu.memref_slice %arg8[%dma_start3A_212, %dma_start3A_213, %dma_start3A_214] : memref<2x128x64xf32, #tpu.memory_space<vmem>> -> memref<1x128x64xf32, #tpu.memory_space<vmem>>
        %dma_start3A_216 = tpu.memref_squeeze %dma_start3A_215 : memref<1x128x64xf32, #tpu.memory_space<vmem>> -> memref<128x64xf32, #tpu.memory_space<vmem>>
        %dma_start3A_217 = tpu.memref_slice %arg6[%rem3A_78, %mul3A_211] : memref<2x6656xi32, #tpu.memory_space<vmem>> -> memref<1x128xi32, #tpu.memory_space<vmem>>
        %dma_start3A_218 = tpu.memref_squeeze %dma_start3A_217 : memref<1x128xi32, #tpu.memory_space<vmem>> -> memref<128xi32, #tpu.memory_space<vmem>>
        %dma_start3A_219 = arith.constant 0 : i32
        %dma_start3A_220 = arith.constant 0 : i32
        %dma_start3A_221 = tpu.memref_slice %arg9[%dma_start3A_219, %dma_start3A_220] : memref<10000x64xf32, #tpu.memory_space<vmem_shared>> -> memref<10000x64xf32, #tpu.memory_space<vmem_shared>>
        tpu.enqueue_indirect_dma source(%dma_start3A_221 : memref<10000x64xf32, #tpu.memory_space<vmem_shared>>) target(%dma_start3A_216 : memref<128x64xf32, #tpu.memory_space<vmem>>) offsets(%dma_start3A_218 : memref<128xi32, #tpu.memory_space<vmem>>) semaphore(%arg12 : memref<!tpu.dma_semaphore, #tpu.memory_space<semaphore_mem>>)
      }
      %scan3A_132 = arith.constant 25 : i32
      %dma_wait3A_133 = arith.constant 0 : i32
      %dma_wait3A_134 = arith.constant 0 : i32
      %dma_wait3A_135 = arith.constant 0 : i32
      %dma_wait3A_136 = tpu.memref_slice %arg8[%dma_wait3A_133, %dma_wait3A_134, %dma_wait3A_135] : memref<2x128x64xf32, #tpu.memory_space<vmem>> -> memref<1x128x64xf32, #tpu.memory_space<vmem>>
      %dma_wait3A_137 = tpu.memref_squeeze %dma_wait3A_136 : memref<1x128x64xf32, #tpu.memory_space<vmem>> -> memref<128x64xf32, #tpu.memory_space<vmem>>
      %dma_wait3A_138 = arith.constant 6400 : i32
      %dma_wait3A_139 = tpu.memref_slice %arg6[%rem3A_78, %dma_wait3A_138] : memref<2x6656xi32, #tpu.memory_space<vmem>> -> memref<1x128xi32, #tpu.memory_space<vmem>>
      %dma_wait3A_140 = tpu.memref_squeeze %dma_wait3A_139 : memref<1x128xi32, #tpu.memory_space<vmem>> -> memref<128xi32, #tpu.memory_space<vmem>>
      %dma_wait3A_141 = arith.constant 0 : i32
      %dma_wait3A_142 = arith.constant 0 : i32
      %dma_wait3A_143 = tpu.memref_slice %arg9[%dma_wait3A_141, %dma_wait3A_142] : memref<10000x64xf32, #tpu.memory_space<vmem_shared>> -> memref<10000x64xf32, #tpu.memory_space<vmem_shared>>
      tpu.wait_indirect_dma semaphore(%arg11 : memref<!tpu.dma_semaphore, #tpu.memory_space<semaphore_mem>>) src(%dma_wait3A_143 : memref<10000x64xf32, #tpu.memory_space<vmem_shared>>) dst(%dma_wait3A_137 : memref<128x64xf32, #tpu.memory_space<vmem>>)
      %run_scoped3A_144 = arith.constant 0 : i32
      "tpu.region"() ({
        %run_scoped3A_157 = tpu.sem_alloc : memref<!tpu.dma_semaphore, #tpu.memory_space<semaphore_mem>>
        %dma_start3A_158 = arith.constant 0 : i32
        %dma_start3A_159 = arith.constant 0 : i32
        %dma_start3A_160 = tpu.memref_slice %arg8[%run_scoped3A_144, %dma_start3A_158, %dma_start3A_159] : memref<2x128x64xf32, #tpu.memory_space<vmem>> -> memref<1x128x64xf32, #tpu.memory_space<vmem>>
        %dma_start3A_161 = tpu.memref_squeeze %dma_start3A_160 : memref<1x128x64xf32, #tpu.memory_space<vmem>> -> memref<128x64xf32, #tpu.memory_space<vmem>>
        %dma_start3A_162 = arith.constant 6400 : i32
        %dma_start3A_163 = tpu.memref_slice %arg7[%rem3A_78, %dma_start3A_162] : memref<2x6656xi32, #tpu.memory_space<vmem>> -> memref<1x128xi32, #tpu.memory_space<vmem>>
        %dma_start3A_164 = tpu.memref_squeeze %dma_start3A_163 : memref<1x128xi32, #tpu.memory_space<vmem>> -> memref<128xi32, #tpu.memory_space<vmem>>
        %dma_start3A_165 = arith.constant 0 : i32
        %dma_start3A_166 = arith.constant 0 : i32
        %dma_start3A_167 = tpu.memref_slice %arg10[%dma_start3A_165, %dma_start3A_166] : memref<10112x64xf32, #tpu.memory_space<vmem_shared>> -> memref<10112x64xf32, #tpu.memory_space<vmem_shared>>
        tpu.enqueue_indirect_dma source(%dma_start3A_161 : memref<128x64xf32, #tpu.memory_space<vmem>>) target(%dma_start3A_167 : memref<10112x64xf32, #tpu.memory_space<vmem_shared>>) offsets(%dma_start3A_164 : memref<128xi32, #tpu.memory_space<vmem>>) semaphore(%run_scoped3A_157 : memref<!tpu.dma_semaphore, #tpu.memory_space<semaphore_mem>>) {add = true}
        %dma_wait3A_168 = arith.constant 0 : i32
        %dma_wait3A_169 = arith.constant 0 : i32
        %dma_wait3A_170 = tpu.memref_slice %arg8[%run_scoped3A_144, %dma_wait3A_168, %dma_wait3A_169] : memref<2x128x64xf32, #tpu.memory_space<vmem>> -> memref<1x128x64xf32, #tpu.memory_space<vmem>>
        %dma_wait3A_171 = tpu.memref_squeeze %dma_wait3A_170 : memref<1x128x64xf32, #tpu.memory_space<vmem>> -> memref<128x64xf32, #tpu.memory_space<vmem>>
        %dma_wait3A_172 = arith.constant 6400 : i32
        %dma_wait3A_173 = tpu.memref_slice %arg7[%rem3A_78, %dma_wait3A_172] : memref<2x6656xi32, #tpu.memory_space<vmem>> -> memref<1x128xi32, #tpu.memory_space<vmem>>
        %dma_wait3A_174 = tpu.memref_squeeze %dma_wait3A_173 : memref<1x128xi32, #tpu.memory_space<vmem>> -> memref<128xi32, #tpu.memory_space<vmem>>
        %dma_wait3A_175 = arith.constant 0 : i32
        %dma_wait3A_176 = arith.constant 0 : i32
        %dma_wait3A_177 = tpu.memref_slice %arg10[%dma_wait3A_175, %dma_wait3A_176] : memref<10112x64xf32, #tpu.memory_space<vmem_shared>> -> memref<10112x64xf32, #tpu.memory_space<vmem_shared>>
        tpu.wait_indirect_dma semaphore(%run_scoped3A_157 : memref<!tpu.dma_semaphore, #tpu.memory_space<semaphore_mem>>) src(%dma_wait3A_171 : memref<128x64xf32, #tpu.memory_space<vmem>>) dst(%dma_wait3A_177 : memref<10112x64xf32, #tpu.memory_space<vmem_shared>>)
        tpu.yield
      }) : () -> ()
      %dma_wait3A_145 = arith.constant 1 : i32
      %dma_wait3A_146 = arith.constant 0 : i32
      %dma_wait3A_147 = arith.constant 0 : i32
      %dma_wait3A_148 = tpu.memref_slice %arg8[%dma_wait3A_145, %dma_wait3A_146, %dma_wait3A_147] : memref<2x128x64xf32, #tpu.memory_space<vmem>> -> memref<1x128x64xf32, #tpu.memory_space<vmem>>
      %dma_wait3A_149 = tpu.memref_squeeze %dma_wait3A_148 : memref<1x128x64xf32, #tpu.memory_space<vmem>> -> memref<128x64xf32, #tpu.memory_space<vmem>>
      %dma_wait3A_150 = arith.constant 6528 : i32
      %dma_wait3A_151 = tpu.memref_slice %arg6[%rem3A_78, %dma_wait3A_150] : memref<2x6656xi32, #tpu.memory_space<vmem>> -> memref<1x128xi32, #tpu.memory_space<vmem>>
      %dma_wait3A_152 = tpu.memref_squeeze %dma_wait3A_151 : memref<1x128xi32, #tpu.memory_space<vmem>> -> memref<128xi32, #tpu.memory_space<vmem>>
      %dma_wait3A_153 = arith.constant 0 : i32
      %dma_wait3A_154 = arith.constant 0 : i32
      %dma_wait3A_155 = tpu.memref_slice %arg9[%dma_wait3A_153, %dma_wait3A_154] : memref<10000x64xf32, #tpu.memory_space<vmem_shared>> -> memref<10000x64xf32, #tpu.memory_space<vmem_shared>>
      tpu.wait_indirect_dma semaphore(%arg12 : memref<!tpu.dma_semaphore, #tpu.memory_space<semaphore_mem>>) src(%dma_wait3A_155 : memref<10000x64xf32, #tpu.memory_space<vmem_shared>>) dst(%dma_wait3A_149 : memref<128x64xf32, #tpu.memory_space<vmem>>)
      %run_scoped3A_156 = arith.constant 1 : i32
      "tpu.region"() ({
        %run_scoped3A_157 = tpu.sem_alloc : memref<!tpu.dma_semaphore, #tpu.memory_space<semaphore_mem>>
        %dma_start3A_158 = arith.constant 0 : i32
        %dma_start3A_159 = arith.constant 0 : i32
        %dma_start3A_160 = tpu.memref_slice %arg8[%run_scoped3A_156, %dma_start3A_158, %dma_start3A_159] : memref<2x128x64xf32, #tpu.memory_space<vmem>> -> memref<1x128x64xf32, #tpu.memory_space<vmem>>
        %dma_start3A_161 = tpu.memref_squeeze %dma_start3A_160 : memref<1x128x64xf32, #tpu.memory_space<vmem>> -> memref<128x64xf32, #tpu.memory_space<vmem>>
        %dma_start3A_162 = arith.constant 6528 : i32
        %dma_start3A_163 = tpu.memref_slice %arg7[%rem3A_78, %dma_start3A_162] : memref<2x6656xi32, #tpu.memory_space<vmem>> -> memref<1x128xi32, #tpu.memory_space<vmem>>
        %dma_start3A_164 = tpu.memref_squeeze %dma_start3A_163 : memref<1x128xi32, #tpu.memory_space<vmem>> -> memref<128xi32, #tpu.memory_space<vmem>>
        %dma_start3A_165 = arith.constant 0 : i32
        %dma_start3A_166 = arith.constant 0 : i32
        %dma_start3A_167 = tpu.memref_slice %arg10[%dma_start3A_165, %dma_start3A_166] : memref<10112x64xf32, #tpu.memory_space<vmem_shared>> -> memref<10112x64xf32, #tpu.memory_space<vmem_shared>>
        tpu.enqueue_indirect_dma source(%dma_start3A_161 : memref<128x64xf32, #tpu.memory_space<vmem>>) target(%dma_start3A_167 : memref<10112x64xf32, #tpu.memory_space<vmem_shared>>) offsets(%dma_start3A_164 : memref<128xi32, #tpu.memory_space<vmem>>) semaphore(%run_scoped3A_157 : memref<!tpu.dma_semaphore, #tpu.memory_space<semaphore_mem>>) {add = true}
        %dma_wait3A_168 = arith.constant 0 : i32
        %dma_wait3A_169 = arith.constant 0 : i32
        %dma_wait3A_170 = tpu.memref_slice %arg8[%run_scoped3A_156, %dma_wait3A_168, %dma_wait3A_169] : memref<2x128x64xf32, #tpu.memory_space<vmem>> -> memref<1x128x64xf32, #tpu.memory_space<vmem>>
        %dma_wait3A_171 = tpu.memref_squeeze %dma_wait3A_170 : memref<1x128x64xf32, #tpu.memory_space<vmem>> -> memref<128x64xf32, #tpu.memory_space<vmem>>
        %dma_wait3A_172 = arith.constant 6528 : i32
        %dma_wait3A_173 = tpu.memref_slice %arg7[%rem3A_78, %dma_wait3A_172] : memref<2x6656xi32, #tpu.memory_space<vmem>> -> memref<1x128xi32, #tpu.memory_space<vmem>>
        %dma_wait3A_174 = tpu.memref_squeeze %dma_wait3A_173 : memref<1x128xi32, #tpu.memory_space<vmem>> -> memref<128xi32, #tpu.memory_space<vmem>>
        %dma_wait3A_175 = arith.constant 0 : i32
        %dma_wait3A_176 = arith.constant 0 : i32
        %dma_wait3A_177 = tpu.memref_slice %arg10[%dma_wait3A_175, %dma_wait3A_176] : memref<10112x64xf32, #tpu.memory_space<vmem_shared>> -> memref<10112x64xf32, #tpu.memory_space<vmem_shared>>
        tpu.wait_indirect_dma semaphore(%run_scoped3A_157 : memref<!tpu.dma_semaphore, #tpu.memory_space<semaphore_mem>>) src(%dma_wait3A_171 : memref<128x64xf32, #tpu.memory_space<vmem>>) dst(%dma_wait3A_177 : memref<10112x64xf32, #tpu.memory_space<vmem_shared>>)
        tpu.yield
      }) : () -> ()
    }
    %scan3A_59 = arith.constant 3 : i32
    %add3A = arith.constant 19968 : i32
    %add3A_60 = arith.addi %mul3A_0, %add3A : i32
    %run_scoped3A = arith.constant 0 : i32
    %run_scoped3A_61 = arith.constant 0 : i32
    "tpu.region"() ({
      %run_scoped3A_77 = tpu.sem_alloc : memref<!tpu.dma_semaphore, #tpu.memory_space<semaphore_mem>>
      %dma_start3A_78 = arith.constant 0 : i32
      %dma_start3A_79 = tpu.memref_slice %arg6[%run_scoped3A_61, %dma_start3A_78] : memref<2x6656xi32, #tpu.memory_space<vmem>> -> memref<1x32xi32, #tpu.memory_space<vmem>>
      %dma_start3A_80 = tpu.memref_squeeze %dma_start3A_79 : memref<1x32xi32, #tpu.memory_space<vmem>> -> memref<32xi32, #tpu.memory_space<vmem>>
      %dma_start3A_81 = tpu.memref_slice %arg3[%run_scoped3A, %add3A_60] : memref<2x320000xi32, #tpu.memory_space<hbm>> -> memref<1x32xi32, #tpu.memory_space<hbm>>
      %dma_start3A_82 = tpu.memref_squeeze %dma_start3A_81 : memref<1x32xi32, #tpu.memory_space<hbm>> -> memref<32xi32, #tpu.memory_space<hbm>>
      %dma_start3A_83 = arith.constant 0 : i32
      %dma_start3A_84 = tpu.memref_slice %arg6[%run_scoped3A_61, %dma_start3A_83] : memref<2x6656xi32, #tpu.memory_space<vmem>> -> memref<1x32xi32, #tpu.memory_space<vmem>>
      %dma_start3A_85 = tpu.memref_squeeze %dma_start3A_84 : memref<1x32xi32, #tpu.memory_space<vmem>> -> memref<32xi32, #tpu.memory_space<vmem>>
      %dma_start3A_86 = tpu.memref_slice %arg3[%run_scoped3A, %add3A_60] : memref<2x320000xi32, #tpu.memory_space<hbm>> -> memref<1x32xi32, #tpu.memory_space<hbm>>
      %dma_start3A_87 = tpu.memref_squeeze %dma_start3A_86 : memref<1x32xi32, #tpu.memory_space<hbm>> -> memref<32xi32, #tpu.memory_space<hbm>>
      tpu.enqueue_dma source(%dma_start3A_87 : memref<32xi32, #tpu.memory_space<hbm>>) target(%dma_start3A_85 : memref<32xi32, #tpu.memory_space<vmem>>) target_semaphore(%run_scoped3A_77 : memref<!tpu.dma_semaphore, #tpu.memory_space<semaphore_mem>>)
      %dma_wait3A_88 = arith.constant 0 : i32
      %dma_wait3A_89 = tpu.memref_slice %arg6[%run_scoped3A_61, %dma_wait3A_88] : memref<2x6656xi32, #tpu.memory_space<vmem>> -> memref<1x32xi32, #tpu.memory_space<vmem>>
      %dma_wait3A_90 = tpu.memref_squeeze %dma_wait3A_89 : memref<1x32xi32, #tpu.memory_space<vmem>> -> memref<32xi32, #tpu.memory_space<vmem>>
      %dma_wait3A_91 = tpu.memref_slice %arg3[%run_scoped3A, %add3A_60] : memref<2x320000xi32, #tpu.memory_space<hbm>> -> memref<1x32xi32, #tpu.memory_space<hbm>>
      %dma_wait3A_92 = tpu.memref_squeeze %dma_wait3A_91 : memref<1x32xi32, #tpu.memory_space<hbm>> -> memref<32xi32, #tpu.memory_space<hbm>>
      %dma_wait3A_93 = arith.constant 0 : i32
      %dma_wait3A_94 = tpu.memref_slice %arg6[%run_scoped3A_61, %dma_wait3A_93] : memref<2x6656xi32, #tpu.memory_space<vmem>> -> memref<1x32xi32, #tpu.memory_space<vmem>>
      %dma_wait3A_95 = tpu.memref_squeeze %dma_wait3A_94 : memref<1x32xi32, #tpu.memory_space<vmem>> -> memref<32xi32, #tpu.memory_space<vmem>>
      %dma_wait3A_96 = tpu.memref_slice %arg3[%run_scoped3A, %add3A_60] : memref<2x320000xi32, #tpu.memory_space<hbm>> -> memref<1x32xi32, #tpu.memory_space<hbm>>
      %dma_wait3A_97 = tpu.memref_squeeze %dma_wait3A_96 : memref<1x32xi32, #tpu.memory_space<hbm>> -> memref<32xi32, #tpu.memory_space<hbm>>
      tpu.wait_dma2 semaphore(%run_scoped3A_77 : memref<!tpu.dma_semaphore, #tpu.memory_space<semaphore_mem>>) src(%dma_wait3A_97 : memref<32xi32, #tpu.memory_space<hbm>>) dst(%dma_wait3A_95 : memref<32xi32, #tpu.memory_space<vmem>>)
      tpu.yield
    }) : () -> ()
    %add3A_62 = arith.constant 19968 : i32
    %add3A_63 = arith.addi %mul3A_0, %add3A_62 : i32
    %run_scoped3A_64 = arith.constant 1 : i32
    %run_scoped3A_65 = arith.constant 0 : i32
    "tpu.region"() ({
      %run_scoped3A_77 = tpu.sem_alloc : memref<!tpu.dma_semaphore, #tpu.memory_space<semaphore_mem>>
      %dma_start3A_78 = arith.constant 0 : i32
      %dma_start3A_79 = tpu.memref_slice %arg7[%run_scoped3A_65, %dma_start3A_78] : memref<2x6656xi32, #tpu.memory_space<vmem>> -> memref<1x32xi32, #tpu.memory_space<vmem>>
      %dma_start3A_80 = tpu.memref_squeeze %dma_start3A_79 : memref<1x32xi32, #tpu.memory_space<vmem>> -> memref<32xi32, #tpu.memory_space<vmem>>
      %dma_start3A_81 = tpu.memref_slice %arg3[%run_scoped3A_64, %add3A_63] : memref<2x320000xi32, #tpu.memory_space<hbm>> -> memref<1x32xi32, #tpu.memory_space<hbm>>
      %dma_start3A_82 = tpu.memref_squeeze %dma_start3A_81 : memref<1x32xi32, #tpu.memory_space<hbm>> -> memref<32xi32, #tpu.memory_space<hbm>>
      %dma_start3A_83 = arith.constant 0 : i32
      %dma_start3A_84 = tpu.memref_slice %arg7[%run_scoped3A_65, %dma_start3A_83] : memref<2x6656xi32, #tpu.memory_space<vmem>> -> memref<1x32xi32, #tpu.memory_space<vmem>>
      %dma_start3A_85 = tpu.memref_squeeze %dma_start3A_84 : memref<1x32xi32, #tpu.memory_space<vmem>> -> memref<32xi32, #tpu.memory_space<vmem>>
      %dma_start3A_86 = tpu.memref_slice %arg3[%run_scoped3A_64, %add3A_63] : memref<2x320000xi32, #tpu.memory_space<hbm>> -> memref<1x32xi32, #tpu.memory_space<hbm>>
      %dma_start3A_87 = tpu.memref_squeeze %dma_start3A_86 : memref<1x32xi32, #tpu.memory_space<hbm>> -> memref<32xi32, #tpu.memory_space<hbm>>
      tpu.enqueue_dma source(%dma_start3A_87 : memref<32xi32, #tpu.memory_space<hbm>>) target(%dma_start3A_85 : memref<32xi32, #tpu.memory_space<vmem>>) target_semaphore(%run_scoped3A_77 : memref<!tpu.dma_semaphore, #tpu.memory_space<semaphore_mem>>)
      %dma_wait3A_88 = arith.constant 0 : i32
      %dma_wait3A_89 = tpu.memref_slice %arg7[%run_scoped3A_65, %dma_wait3A_88] : memref<2x6656xi32, #tpu.memory_space<vmem>> -> memref<1x32xi32, #tpu.memory_space<vmem>>
      %dma_wait3A_90 = tpu.memref_squeeze %dma_wait3A_89 : memref<1x32xi32, #tpu.memory_space<vmem>> -> memref<32xi32, #tpu.memory_space<vmem>>
      %dma_wait3A_91 = tpu.memref_slice %arg3[%run_scoped3A_64, %add3A_63] : memref<2x320000xi32, #tpu.memory_space<hbm>> -> memref<1x32xi32, #tpu.memory_space<hbm>>
      %dma_wait3A_92 = tpu.memref_squeeze %dma_wait3A_91 : memref<1x32xi32, #tpu.memory_space<hbm>> -> memref<32xi32, #tpu.memory_space<hbm>>
      %dma_wait3A_93 = arith.constant 0 : i32
      %dma_wait3A_94 = tpu.memref_slice %arg7[%run_scoped3A_65, %dma_wait3A_93] : memref<2x6656xi32, #tpu.memory_space<vmem>> -> memref<1x32xi32, #tpu.memory_space<vmem>>
      %dma_wait3A_95 = tpu.memref_squeeze %dma_wait3A_94 : memref<1x32xi32, #tpu.memory_space<vmem>> -> memref<32xi32, #tpu.memory_space<vmem>>
      %dma_wait3A_96 = tpu.memref_slice %arg3[%run_scoped3A_64, %add3A_63] : memref<2x320000xi32, #tpu.memory_space<hbm>> -> memref<1x32xi32, #tpu.memory_space<hbm>>
      %dma_wait3A_97 = tpu.memref_squeeze %dma_wait3A_96 : memref<1x32xi32, #tpu.memory_space<hbm>> -> memref<32xi32, #tpu.memory_space<hbm>>
      tpu.wait_dma2 semaphore(%run_scoped3A_77 : memref<!tpu.dma_semaphore, #tpu.memory_space<semaphore_mem>>) src(%dma_wait3A_97 : memref<32xi32, #tpu.memory_space<hbm>>) dst(%dma_wait3A_95 : memref<32xi32, #tpu.memory_space<vmem>>)
      tpu.yield
    }) : () -> ()
    %run_scoped3A_66 = arith.constant 0 : i32
    %run_scoped3A_67 = arith.constant 0 : i32
    "tpu.region"() ({
      %run_scoped3A_77 = tpu.sem_alloc : memref<!tpu.dma_semaphore, #tpu.memory_space<semaphore_mem>>
      %dma_start3A_78 = arith.constant 0 : i32
      %dma_start3A_79 = arith.constant 0 : i32
      %dma_start3A_80 = tpu.memref_slice %arg8[%run_scoped3A_67, %dma_start3A_78, %dma_start3A_79] : memref<2x128x64xf32, #tpu.memory_space<vmem>> -> memref<1x32x64xf32, #tpu.memory_space<vmem>>
      %dma_start3A_81 = tpu.memref_squeeze %dma_start3A_80 : memref<1x32x64xf32, #tpu.memory_space<vmem>> -> memref<32x64xf32, #tpu.memory_space<vmem>>
      %dma_start3A_82 = arith.constant 0 : i32
      %dma_start3A_83 = tpu.memref_slice %arg6[%run_scoped3A_66, %dma_start3A_82] : memref<2x6656xi32, #tpu.memory_space<vmem>> -> memref<1x32xi32, #tpu.memory_space<vmem>>
      %dma_start3A_84 = tpu.memref_squeeze %dma_start3A_83 : memref<1x32xi32, #tpu.memory_space<vmem>> -> memref<32xi32, #tpu.memory_space<vmem>>
      %dma_start3A_85 = arith.constant 0 : i32
      %dma_start3A_86 = arith.constant 0 : i32
      %dma_start3A_87 = tpu.memref_slice %arg9[%dma_start3A_85, %dma_start3A_86] : memref<10000x64xf32, #tpu.memory_space<vmem_shared>> -> memref<10000x64xf32, #tpu.memory_space<vmem_shared>>
      tpu.enqueue_indirect_dma source(%dma_start3A_87 : memref<10000x64xf32, #tpu.memory_space<vmem_shared>>) target(%dma_start3A_81 : memref<32x64xf32, #tpu.memory_space<vmem>>) offsets(%dma_start3A_84 : memref<32xi32, #tpu.memory_space<vmem>>) semaphore(%run_scoped3A_77 : memref<!tpu.dma_semaphore, #tpu.memory_space<semaphore_mem>>)
      %dma_wait3A_88 = arith.constant 0 : i32
      %dma_wait3A_89 = arith.constant 0 : i32
      %dma_wait3A_90 = tpu.memref_slice %arg8[%run_scoped3A_67, %dma_wait3A_88, %dma_wait3A_89] : memref<2x128x64xf32, #tpu.memory_space<vmem>> -> memref<1x32x64xf32, #tpu.memory_space<vmem>>
      %dma_wait3A_91 = tpu.memref_squeeze %dma_wait3A_90 : memref<1x32x64xf32, #tpu.memory_space<vmem>> -> memref<32x64xf32, #tpu.memory_space<vmem>>
      %dma_wait3A_92 = arith.constant 0 : i32
      %dma_wait3A_93 = tpu.memref_slice %arg6[%run_scoped3A_66, %dma_wait3A_92] : memref<2x6656xi32, #tpu.memory_space<vmem>> -> memref<1x32xi32, #tpu.memory_space<vmem>>
      %dma_wait3A_94 = tpu.memref_squeeze %dma_wait3A_93 : memref<1x32xi32, #tpu.memory_space<vmem>> -> memref<32xi32, #tpu.memory_space<vmem>>
      %dma_wait3A_95 = arith.constant 0 : i32
      %dma_wait3A_96 = arith.constant 0 : i32
      %dma_wait3A_97 = tpu.memref_slice %arg9[%dma_wait3A_95, %dma_wait3A_96] : memref<10000x64xf32, #tpu.memory_space<vmem_shared>> -> memref<10000x64xf32, #tpu.memory_space<vmem_shared>>
      tpu.wait_indirect_dma semaphore(%run_scoped3A_77 : memref<!tpu.dma_semaphore, #tpu.memory_space<semaphore_mem>>) src(%dma_wait3A_97 : memref<10000x64xf32, #tpu.memory_space<vmem_shared>>) dst(%dma_wait3A_91 : memref<32x64xf32, #tpu.memory_space<vmem>>)
      tpu.yield
    }) : () -> ()
    %run_scoped3A_68 = arith.constant 0 : i32
    %run_scoped3A_69 = arith.constant 0 : i32
    "tpu.region"() ({
      %run_scoped3A_77 = tpu.sem_alloc : memref<!tpu.dma_semaphore, #tpu.memory_space<semaphore_mem>>
      %dma_start3A_78 = arith.constant 0 : i32
      %dma_start3A_79 = arith.constant 0 : i32
      %dma_start3A_80 = tpu.memref_slice %arg8[%run_scoped3A_68, %dma_start3A_78, %dma_start3A_79] : memref<2x128x64xf32, #tpu.memory_space<vmem>> -> memref<1x32x64xf32, #tpu.memory_space<vmem>>
      %dma_start3A_81 = tpu.memref_squeeze %dma_start3A_80 : memref<1x32x64xf32, #tpu.memory_space<vmem>> -> memref<32x64xf32, #tpu.memory_space<vmem>>
      %dma_start3A_82 = arith.constant 0 : i32
      %dma_start3A_83 = tpu.memref_slice %arg7[%run_scoped3A_69, %dma_start3A_82] : memref<2x6656xi32, #tpu.memory_space<vmem>> -> memref<1x32xi32, #tpu.memory_space<vmem>>
      %dma_start3A_84 = tpu.memref_squeeze %dma_start3A_83 : memref<1x32xi32, #tpu.memory_space<vmem>> -> memref<32xi32, #tpu.memory_space<vmem>>
      %dma_start3A_85 = arith.constant 0 : i32
      %dma_start3A_86 = arith.constant 0 : i32
      %dma_start3A_87 = tpu.memref_slice %arg10[%dma_start3A_85, %dma_start3A_86] : memref<10112x64xf32, #tpu.memory_space<vmem_shared>> -> memref<10112x64xf32, #tpu.memory_space<vmem_shared>>
      tpu.enqueue_indirect_dma source(%dma_start3A_81 : memref<32x64xf32, #tpu.memory_space<vmem>>) target(%dma_start3A_87 : memref<10112x64xf32, #tpu.memory_space<vmem_shared>>) offsets(%dma_start3A_84 : memref<32xi32, #tpu.memory_space<vmem>>) semaphore(%run_scoped3A_77 : memref<!tpu.dma_semaphore, #tpu.memory_space<semaphore_mem>>) {add = true}
      %dma_wait3A_88 = arith.constant 0 : i32
      %dma_wait3A_89 = arith.constant 0 : i32
      %dma_wait3A_90 = tpu.memref_slice %arg8[%run_scoped3A_68, %dma_wait3A_88, %dma_wait3A_89] : memref<2x128x64xf32, #tpu.memory_space<vmem>> -> memref<1x32x64xf32, #tpu.memory_space<vmem>>
      %dma_wait3A_91 = tpu.memref_squeeze %dma_wait3A_90 : memref<1x32x64xf32, #tpu.memory_space<vmem>> -> memref<32x64xf32, #tpu.memory_space<vmem>>
      %dma_wait3A_92 = arith.constant 0 : i32
      %dma_wait3A_93 = tpu.memref_slice %arg7[%run_scoped3A_69, %dma_wait3A_92] : memref<2x6656xi32, #tpu.memory_space<vmem>> -> memref<1x32xi32, #tpu.memory_space<vmem>>
      %dma_wait3A_94 = tpu.memref_squeeze %dma_wait3A_93 : memref<1x32xi32, #tpu.memory_space<vmem>> -> memref<32xi32, #tpu.memory_space<vmem>>
      %dma_wait3A_95 = arith.constant 0 : i32
      %dma_wait3A_96 = arith.constant 0 : i32
      %dma_wait3A_97 = tpu.memref_slice %arg10[%dma_wait3A_95, %dma_wait3A_96] : memref<10112x64xf32, #tpu.memory_space<vmem_shared>> -> memref<10112x64xf32, #tpu.memory_space<vmem_shared>>
      tpu.wait_indirect_dma semaphore(%run_scoped3A_77 : memref<!tpu.dma_semaphore, #tpu.memory_space<semaphore_mem>>) src(%dma_wait3A_91 : memref<32x64xf32, #tpu.memory_space<vmem>>) dst(%dma_wait3A_97 : memref<10112x64xf32, #tpu.memory_space<vmem_shared>>)
      tpu.yield
    }) : () -> ()
    %barrier3A_70 = arith.constant 0 : index
    tpu.barrier barrier_id(%barrier3A_70)
    %mul3A_71 = arith.constant 632 : i32
    %mul3A_72 = arith.muli %arg1, %mul3A_71 : i32
    %mul3A_73 = arith.constant 632 : i32
    %mul3A_74 = arith.muli %arg1, %mul3A_73 : i32
    %mul3A_75 = arith.constant 64 : i32
    %mul3A_76 = arith.muli %arg0, %mul3A_75 : i32
    "tpu.region"() ({
      %run_scoped3A_77 = tpu.sem_alloc : memref<!tpu.dma_semaphore, #tpu.memory_space<semaphore_mem>>
      %dma_start3A_78 = tpu.memref_slice %arg5[%mul3A_74, %mul3A_76] : memref<10112x128xf32, #tpu.memory_space<hbm>> -> memref<632x64xf32, #tpu.memory_space<hbm>>
      %dma_start3A_79 = arith.constant 0 : i32
      %dma_start3A_80 = tpu.memref_slice %arg10[%mul3A_72, %dma_start3A_79] : memref<10112x64xf32, #tpu.memory_space<vmem_shared>> -> memref<632x64xf32, #tpu.memory_space<vmem_shared>>
      tpu.enqueue_dma source(%dma_start3A_80 : memref<632x64xf32, #tpu.memory_space<vmem_shared>>) target(%dma_start3A_78 : memref<632x64xf32, #tpu.memory_space<hbm>>) target_semaphore(%run_scoped3A_77 : memref<!tpu.dma_semaphore, #tpu.memory_space<semaphore_mem>>)
      %dma_wait3A_81 = tpu.memref_slice %arg5[%mul3A_74, %mul3A_76] : memref<10112x128xf32, #tpu.memory_space<hbm>> -> memref<632x64xf32, #tpu.memory_space<hbm>>
      %dma_wait3A_82 = arith.constant 0 : i32
      %dma_wait3A_83 = tpu.memref_slice %arg10[%mul3A_72, %dma_wait3A_82] : memref<10112x64xf32, #tpu.memory_space<vmem_shared>> -> memref<632x64xf32, #tpu.memory_space<vmem_shared>>
      tpu.wait_dma2 semaphore(%run_scoped3A_77 : memref<!tpu.dma_semaphore, #tpu.memory_space<semaphore_mem>>) src(%dma_wait3A_83 : memref<632x64xf32, #tpu.memory_space<vmem_shared>>) dst(%dma_wait3A_81 : memref<632x64xf32, #tpu.memory_space<hbm>>)
      tpu.yield
    }) : () -> ()
    return
  }
}

module attributes {stable_mosaic.version = 14 : i64} {
  func.func @_embed_body(%arg0: i32, %arg1: memref<1x1x1000xi32, #tpu.memory_space<vmem>>, %arg2: memref<16x128xf32, #tpu.memory_space<vmem>>, %arg3: memref<1000x128xf32, #tpu.memory_space<vmem>>) attributes {dimension_semantics = [#tpu.dimension_semantics<arbitrary>], iteration_bounds = array<i64: 10>, scalar_prefetch = 0 : i64, scratch_operands = 0 : i64, tpu.core_type = #tpu.core_type<tc>, window_params = [{transform_indices = @transform_0, window_bounds = array<i64: 1, 1, 1000>}, {pipeline_mode = #tpu.pipeline_mode<synchronous>, transform_indices = @transform_1, window_bounds = array<i64: 16, 128>}, {transform_indices = @transform_2, window_bounds = array<i64: 1000, 128>}]} {
    %get3A = arith.constant 0 : index
    %get3A_0 = arith.constant 0 : index
    %get3A_1 = arith.constant 0 : index
    %get3A_2 = vector.load %arg1[%get3A, %get3A_0, %get3A_1] : memref<1x1x1000xi32, #tpu.memory_space<vmem>>, vector<1x1x1000xi32>
    %get3A_3 = vector.shape_cast %get3A_2 : vector<1x1x1000xi32> to vector<1000xi32>
    %broadcast_in_dim3A = vector.shape_cast %get3A_3 : vector<1000xi32> to vector<1000x1xi32>
    %iota3A = tpu.iota {dimensions = array<i32: 1>} : vector<1000x16xi32>
    %eq3A = vector.broadcast %broadcast_in_dim3A : vector<1000x1xi32> to vector<1000x16xi32>
    %eq3A_4 = arith.cmpi eq, %eq3A, %iota3A : vector<1000x16xi32>
    %convert_element_type3A = arith.extui %eq3A_4 : vector<1000x16xi1> to vector<1000x16xi32>
    %convert_element_type3A_5 = arith.sitofp %convert_element_type3A : vector<1000x16xi32> to vector<1000x16xf32>
    %get3A_6 = arith.constant 0 : index
    %get3A_7 = arith.constant 0 : index
    %get3A_8 = vector.load %arg2[%get3A_6, %get3A_7] : memref<16x128xf32, #tpu.memory_space<vmem>>, vector<16x128xf32>
    %dot_general3A = arith.constant dense<0.000000e+00> : vector<1000x128xf32>
    %dot_general3A_9 = tpu.matmul %convert_element_type3A_5, %get3A_8, %dot_general3A {dimension_numbers = #tpu.dot_dimension_numbers<[1], [0], [0], [1], [0, 0, 1, 1], [], []>, transpose_lhs_hint = false} : vector<1000x16xf32>, vector<16x128xf32>, vector<1000x128xf32> -> vector<1000x128xf32>
    %swap3A = arith.constant 0 : index
    %swap3A_10 = arith.constant 0 : index
    %swap3A_11 = vector.load %arg3[%swap3A, %swap3A_10] : memref<1000x128xf32, #tpu.memory_space<vmem>>, vector<1000x128xf32>
    tpu.vector_store %arg3[%swap3A, %swap3A_10], %dot_general3A_9 {strides = array<i32>} : memref<1000x128xf32, #tpu.memory_space<vmem>>, vector<1000x128xf32>,
    return
  }
  func.func @transform_0(%arg0: i32) -> (i32, i32, i32) {
    %c0_i32 = arith.constant 0 : i32
    %c0_i32_0 = arith.constant 0 : i32
    %c0_i32_1 = arith.constant 0 : i32
    return %arg0, %c0_i32, %c0_i32_0 : i32, i32, i32
  }
  func.func @transform_1(%arg0: i32) -> (i32, i32) {
    %c0_i32 = arith.constant 0 : i32
    %c0_i32_0 = arith.constant 0 : i32
    %c0_i32_1 = arith.constant 0 : i32
    return %c0_i32, %c0_i32_0 : i32, i32
  }
  func.func @transform_2(%arg0: i32) -> (i32, i32) {
    %c0_i32 = arith.constant 0 : i32
    %c0_i32_0 = arith.constant 0 : i32
    return %arg0, %c0_i32 : i32, i32
  }
}

module attributes {stable_mosaic.version = 14 : i64} {
  func.func @_linear_body(%arg0: i32, %arg1: memref<1000x128xf32, #tpu.memory_space<vmem>>, %arg2: memref<128x128xf32, #tpu.memory_space<vmem>>, %arg3: memref<1x128xf32, #tpu.memory_space<vmem>>, %arg4: memref<1000x128xf32, #tpu.memory_space<vmem>>) attributes {dimension_semantics = [#tpu.dimension_semantics<arbitrary>], iteration_bounds = array<i64: 10>, scalar_prefetch = 0 : i64, scratch_operands = 0 : i64, tpu.core_type = #tpu.core_type<tc>, window_params = [{transform_indices = @transform_0, window_bounds = array<i64: 1000, 128>}, {pipeline_mode = #tpu.pipeline_mode<synchronous>, transform_indices = @transform_1, window_bounds = array<i64: 128, 128>}, {pipeline_mode = #tpu.pipeline_mode<synchronous>, transform_indices = @transform_2, window_bounds = array<i64: 1, 128>}, {transform_indices = @transform_3, window_bounds = array<i64: 1000, 128>}]} {
    %get3A = arith.constant 0 : index
    %get3A_0 = arith.constant 0 : index
    %get3A_1 = vector.load %arg1[%get3A, %get3A_0] : memref<1000x128xf32, #tpu.memory_space<vmem>>, vector<1000x128xf32>
    %get3A_2 = arith.constant 0 : index
    %get3A_3 = arith.constant 0 : index
    %get3A_4 = vector.load %arg2[%get3A_2, %get3A_3] : memref<128x128xf32, #tpu.memory_space<vmem>>, vector<128x128xf32>
    %dot_general3A = arith.constant dense<0.000000e+00> : vector<1000x128xf32>
    %dot_general3A_5 = tpu.matmul %get3A_1, %get3A_4, %dot_general3A {dimension_numbers = #tpu.dot_dimension_numbers<[1], [0], [0], [1], [0, 0, 1, 1], [], []>, transpose_lhs_hint = false} : vector<1000x128xf32>, vector<128x128xf32>, vector<1000x128xf32> -> vector<1000x128xf32>
    %get3A_6 = arith.constant 0 : index
    %get3A_7 = arith.constant 0 : index
    %get3A_8 = vector.load %arg3[%get3A_6, %get3A_7] : memref<1x128xf32, #tpu.memory_space<vmem>>, vector<1x128xf32>
    %add3A = vector.broadcast %get3A_8 : vector<1x128xf32> to vector<1000x128xf32>
    %add3A_9 = arith.addf %dot_general3A_5, %add3A : vector<1000x128xf32>
    %swap3A = arith.constant 0 : index
    %swap3A_10 = arith.constant 0 : index
    %swap3A_11 = vector.load %arg4[%swap3A, %swap3A_10] : memref<1000x128xf32, #tpu.memory_space<vmem>>, vector<1000x128xf32>
    tpu.vector_store %arg4[%swap3A, %swap3A_10], %add3A_9 {strides = array<i32>} : memref<1000x128xf32, #tpu.memory_space<vmem>>, vector<1000x128xf32>,
    return
  }
  func.func @transform_0(%arg0: i32) -> (i32, i32) {
    %c0_i32 = arith.constant 0 : i32
    %c0_i32_0 = arith.constant 0 : i32
    return %arg0, %c0_i32 : i32, i32
  }
  func.func @transform_1(%arg0: i32) -> (i32, i32) {
    %c0_i32 = arith.constant 0 : i32
    %c0_i32_0 = arith.constant 0 : i32
    %c0_i32_1 = arith.constant 0 : i32
    return %c0_i32, %c0_i32_0 : i32, i32
  }
  func.func @transform_2(%arg0: i32) -> (i32, i32) {
    %c0_i32 = arith.constant 0 : i32
    %c0_i32_0 = arith.constant 0 : i32
    %c0_i32_1 = arith.constant 0 : i32
    return %c0_i32, %c0_i32_0 : i32, i32
  }
  func.func @transform_3(%arg0: i32) -> (i32, i32) {
    %c0_i32 = arith.constant 0 : i32
    %c0_i32_0 = arith.constant 0 : i32
    return %arg0, %c0_i32 : i32, i32
  }
}

module attributes {stable_mosaic.version = 14 : i64} {
  func.func @_update_body(%arg0: i32, %arg1: memref<1000x128xf32, #tpu.memory_space<vmem>>, %arg2: memref<1000x128xf32, #tpu.memory_space<vmem>>, %arg3: memref<128x128xf32, #tpu.memory_space<vmem>>, %arg4: memref<1000x128xf32, #tpu.memory_space<vmem>>) attributes {dimension_semantics = [#tpu.dimension_semantics<arbitrary>], iteration_bounds = array<i64: 10>, scalar_prefetch = 0 : i64, scratch_operands = 0 : i64, tpu.core_type = #tpu.core_type<tc>, window_params = [{transform_indices = @transform_0, window_bounds = array<i64: 1000, 128>}, {transform_indices = @transform_1, window_bounds = array<i64: 1000, 128>}, {pipeline_mode = #tpu.pipeline_mode<synchronous>, transform_indices = @transform_2, window_bounds = array<i64: 128, 128>}, {transform_indices = @transform_3, window_bounds = array<i64: 1000, 128>}]} {
    %get3A = arith.constant 0 : index
    %get3A_0 = arith.constant 0 : index
    %get3A_1 = vector.load %arg1[%get3A, %get3A_0] : memref<1000x128xf32, #tpu.memory_space<vmem>>, vector<1000x128xf32>
    %get3A_2 = arith.constant 0 : index
    %get3A_3 = arith.constant 0 : index
    %get3A_4 = vector.load %arg3[%get3A_2, %get3A_3] : memref<128x128xf32, #tpu.memory_space<vmem>>, vector<128x128xf32>
    %dot_general3A = arith.constant dense<0.000000e+00> : vector<1000x128xf32>
    %dot_general3A_5 = tpu.matmul %get3A_1, %get3A_4, %dot_general3A {dimension_numbers = #tpu.dot_dimension_numbers<[1], [0], [0], [1], [0, 0, 1, 1], [], []>, transpose_lhs_hint = false} : vector<1000x128xf32>, vector<128x128xf32>, vector<1000x128xf32> -> vector<1000x128xf32>
    %get3A_6 = arith.constant 0 : index
    %get3A_7 = arith.constant 0 : index
    %get3A_8 = vector.load %arg2[%get3A_6, %get3A_7] : memref<1000x128xf32, #tpu.memory_space<vmem>>, vector<1000x128xf32>
    %add3A = arith.addf %dot_general3A_5, %get3A_8 : vector<1000x128xf32>
    %max3A = arith.constant 0.000000e+00 : f32
    %max3A_9 = vector.broadcast %max3A : f32 to vector<1000x128xf32>
    %max3A_10 = arith.maximumf %add3A, %max3A_9 : vector<1000x128xf32>
    %swap3A = arith.constant 0 : index
    %swap3A_11 = arith.constant 0 : index
    %swap3A_12 = vector.load %arg4[%swap3A, %swap3A_11] : memref<1000x128xf32, #tpu.memory_space<vmem>>, vector<1000x128xf32>
    tpu.vector_store %arg4[%swap3A, %swap3A_11], %max3A_10 {strides = array<i32>} : memref<1000x128xf32, #tpu.memory_space<vmem>>, vector<1000x128xf32>,
    return
  }
  func.func @transform_0(%arg0: i32) -> (i32, i32) {
    %c0_i32 = arith.constant 0 : i32
    %c0_i32_0 = arith.constant 0 : i32
    return %arg0, %c0_i32 : i32, i32
  }
  func.func @transform_1(%arg0: i32) -> (i32, i32) {
    %c0_i32 = arith.constant 0 : i32
    %c0_i32_0 = arith.constant 0 : i32
    return %arg0, %c0_i32 : i32, i32
  }
  func.func @transform_2(%arg0: i32) -> (i32, i32) {
    %c0_i32 = arith.constant 0 : i32
    %c0_i32_0 = arith.constant 0 : i32
    %c0_i32_1 = arith.constant 0 : i32
    return %c0_i32, %c0_i32_0 : i32, i32
  }
  func.func @transform_3(%arg0: i32) -> (i32, i32) {
    %c0_i32 = arith.constant 0 : i32
    %c0_i32_0 = arith.constant 0 : i32
    return %arg0, %c0_i32 : i32, i32
  }
}

module attributes {stable_mosaic.version = 14 : i64} {
  func.func @_readout_body(%arg0: i32, %arg1: memref<1000x128xf32, #tpu.memory_space<vmem>>, %arg2: memref<1x1x64xi32, #tpu.memory_space<vmem>>, %arg3: memref<128x256xf32, #tpu.memory_space<vmem>>, %arg4: memref<1x256xf32, #tpu.memory_space<vmem>>, %arg5: memref<256x256xf32, #tpu.memory_space<vmem>>, %arg6: memref<1x256xf32, #tpu.memory_space<vmem>>, %arg7: memref<256x128xf32, #tpu.memory_space<vmem>>, %arg8: memref<1x128xf32, #tpu.memory_space<vmem>>, %arg9: memref<64x128xf32, #tpu.memory_space<vmem>>, %arg10: memref<64x128xf32, #tpu.memory_space<vmem>>) attributes {dimension_semantics = [#tpu.dimension_semantics<arbitrary>], iteration_bounds = array<i64: 10>, scalar_prefetch = 0 : i64, scratch_operands = 1 : i64, tpu.core_type = #tpu.core_type<tc>, window_params = [{transform_indices = @transform_0, window_bounds = array<i64: 1000, 128>}, {pipeline_mode = #tpu.pipeline_mode<synchronous>, transform_indices = @transform_1, window_bounds = array<i64: 1, 1, 64>}, {pipeline_mode = #tpu.pipeline_mode<synchronous>, transform_indices = @transform_2, window_bounds = array<i64: 128, 256>}, {pipeline_mode = #tpu.pipeline_mode<synchronous>, transform_indices = @transform_3, window_bounds = array<i64: 1, 256>}, {pipeline_mode = #tpu.pipeline_mode<synchronous>, transform_indices = @transform_4, window_bounds = array<i64: 256, 256>}, {pipeline_mode = #tpu.pipeline_mode<synchronous>, transform_indices = @transform_5, window_bounds = array<i64: 1, 256>}, {pipeline_mode = #tpu.pipeline_mode<synchronous>, transform_indices = @transform_6, window_bounds = array<i64: 256, 128>}, {pipeline_mode = #tpu.pipeline_mode<synchronous>, transform_indices = @transform_7, window_bounds = array<i64: 1, 128>}, {pipeline_mode = #tpu.pipeline_mode<synchronous>, transform_indices = @transform_8, window_bounds = array<i64: 64, 128>}]} {
    %eq3A = arith.constant 0 : i32
    %eq3A_0 = arith.cmpi eq, %arg0, %eq3A : i32
    %convert_element_type3A = arith.extui %eq3A_0 : i1 to i32
    %cond3A = arith.constant 0 : i32
    %cond3A_1 = arith.cmpi ne, %convert_element_type3A, %cond3A : i32
    scf.if %cond3A_1 {
      %broadcast_in_dim3A_27 = arith.constant 0.000000e+00 : f32
      %broadcast_in_dim3A_28 = vector.broadcast %broadcast_in_dim3A_27 : f32 to vector<64x128xf32>
      %swap3A_29 = arith.constant 0 : index
      %swap3A_30 = arith.constant 0 : index
      %swap3A_31 = vector.load %arg10[%swap3A_29, %swap3A_30] : memref<64x128xf32, #tpu.memory_space<vmem>>, vector<64x128xf32>
      tpu.vector_store %arg10[%swap3A_29, %swap3A_30], %broadcast_in_dim3A_28 {strides = array<i32>} : memref<64x128xf32, #tpu.memory_space<vmem>>, vector<64x128xf32>,
    } else {
    }
    %get3A = arith.constant 0 : index
    %get3A_2 = arith.constant 0 : index
    %get3A_3 = arith.constant 0 : index
    %get3A_4 = vector.load %arg2[%get3A, %get3A_2, %get3A_3] : memref<1x1x64xi32, #tpu.memory_space<vmem>>, vector<1x1x64xi32>
    %get3A_5 = vector.shape_cast %get3A_4 : vector<1x1x64xi32> to vector<64xi32>
    %iota3A = tpu.iota {dimensions = array<i32: 1>} : vector<64x1000xi32>
    %mul3A = arith.constant 1000 : i32
    %mul3A_6 = arith.muli %arg0, %mul3A : i32
    %add3A = vector.broadcast %mul3A_6 : i32 to vector<64x1000xi32>
    %add3A_7 = arith.addi %iota3A, %add3A : vector<64x1000xi32>
    %broadcast_in_dim3A = vector.shape_cast %get3A_5 : vector<64xi32> to vector<64x1xi32>
    %eq3A_8 = vector.broadcast %broadcast_in_dim3A : vector<64x1xi32> to vector<64x1000xi32>
    %eq3A_9 = arith.cmpi eq, %eq3A_8, %add3A_7 : vector<64x1000xi32>
    %convert_element_type3A_10 = arith.extui %eq3A_9 : vector<64x1000xi1> to vector<64x1000xi32>
    %convert_element_type3A_11 = arith.sitofp %convert_element_type3A_10 : vector<64x1000xi32> to vector<64x1000xf32>
    %get3A_12 = arith.constant 0 : index
    %get3A_13 = arith.constant 0 : index
    %get3A_14 = vector.load %arg10[%get3A_12, %get3A_13] : memref<64x128xf32, #tpu.memory_space<vmem>>, vector<64x128xf32>
    %get3A_15 = arith.constant 0 : index
    %get3A_16 = arith.constant 0 : index
    %get3A_17 = vector.load %arg1[%get3A_15, %get3A_16] : memref<1000x128xf32, #tpu.memory_space<vmem>>, vector<1000x128xf32>
    %dot_general3A = arith.constant dense<0.000000e+00> : vector<64x128xf32>
    %dot_general3A_18 = tpu.matmul %convert_element_type3A_11, %get3A_17, %dot_general3A {dimension_numbers = #tpu.dot_dimension_numbers<[1], [0], [0], [1], [0, 0, 1, 1], [], []>, transpose_lhs_hint = false} : vector<64x1000xf32>, vector<1000x128xf32>, vector<64x128xf32> -> vector<64x128xf32>
    %add3A_19 = arith.addf %get3A_14, %dot_general3A_18 : vector<64x128xf32>
    %swap3A = arith.constant 0 : index
    %swap3A_20 = arith.constant 0 : index
    %swap3A_21 = vector.load %arg10[%swap3A, %swap3A_20] : memref<64x128xf32, #tpu.memory_space<vmem>>, vector<64x128xf32>
    tpu.vector_store %arg10[%swap3A, %swap3A_20], %add3A_19 {strides = array<i32>} : memref<64x128xf32, #tpu.memory_space<vmem>>, vector<64x128xf32>,
    %eq3A_22 = arith.constant 9 : i32
    %eq3A_23 = arith.cmpi eq, %arg0, %eq3A_22 : i32
    %convert_element_type3A_24 = arith.extui %eq3A_23 : i1 to i32
    %cond3A_25 = arith.constant 0 : i32
    %cond3A_26 = arith.cmpi ne, %convert_element_type3A_24, %cond3A_25 : i32
    scf.if %cond3A_26 {
      %get3A_27 = arith.constant 0 : index
      %get3A_28 = arith.constant 0 : index
      %get3A_29 = vector.load %arg10[%get3A_27, %get3A_28] : memref<64x128xf32, #tpu.memory_space<vmem>>, vector<64x128xf32>
      %get3A_30 = arith.constant 0 : index
      %get3A_31 = arith.constant 0 : index
      %get3A_32 = vector.load %arg3[%get3A_30, %get3A_31] : memref<128x256xf32, #tpu.memory_space<vmem>>, vector<128x256xf32>
      %dot_general3A_33 = arith.constant dense<0.000000e+00> : vector<64x256xf32>
      %dot_general3A_34 = tpu.matmul %get3A_29, %get3A_32, %dot_general3A_33 {dimension_numbers = #tpu.dot_dimension_numbers<[1], [0], [0], [1], [0, 0, 1, 1], [], []>, transpose_lhs_hint = false} : vector<64x128xf32>, vector<128x256xf32>, vector<64x256xf32> -> vector<64x256xf32>
      %get3A_35 = arith.constant 0 : index
      %get3A_36 = arith.constant 0 : index
      %get3A_37 = vector.load %arg4[%get3A_35, %get3A_36] : memref<1x256xf32, #tpu.memory_space<vmem>>, vector<1x256xf32>
      %add3A_38 = vector.broadcast %get3A_37 : vector<1x256xf32> to vector<64x256xf32>
      %add3A_39 = arith.addf %dot_general3A_34, %add3A_38 : vector<64x256xf32>
      %max3A = arith.constant 0.000000e+00 : f32
      %max3A_40 = vector.broadcast %max3A : f32 to vector<64x256xf32>
      %max3A_41 = arith.maximumf %add3A_39, %max3A_40 : vector<64x256xf32>
      %get3A_42 = arith.constant 0 : index
      %get3A_43 = arith.constant 0 : index
      %get3A_44 = vector.load %arg5[%get3A_42, %get3A_43] : memref<256x256xf32, #tpu.memory_space<vmem>>, vector<256x256xf32>
      %dot_general3A_45 = arith.constant dense<0.000000e+00> : vector<64x256xf32>
      %dot_general3A_46 = tpu.matmul %max3A_41, %get3A_44, %dot_general3A_45 {dimension_numbers = #tpu.dot_dimension_numbers<[1], [0], [0], [1], [0, 0, 1, 1], [], []>, transpose_lhs_hint = false} : vector<64x256xf32>, vector<256x256xf32>, vector<64x256xf32> -> vector<64x256xf32>
      %get3A_47 = arith.constant 0 : index
      %get3A_48 = arith.constant 0 : index
      %get3A_49 = vector.load %arg6[%get3A_47, %get3A_48] : memref<1x256xf32, #tpu.memory_space<vmem>>, vector<1x256xf32>
      %add3A_50 = vector.broadcast %get3A_49 : vector<1x256xf32> to vector<64x256xf32>
      %add3A_51 = arith.addf %dot_general3A_46, %add3A_50 : vector<64x256xf32>
      %max3A_52 = arith.constant 0.000000e+00 : f32
      %max3A_53 = vector.broadcast %max3A_52 : f32 to vector<64x256xf32>
      %max3A_54 = arith.maximumf %add3A_51, %max3A_53 : vector<64x256xf32>
      %get3A_55 = arith.constant 0 : index
      %get3A_56 = arith.constant 0 : index
      %get3A_57 = vector.load %arg7[%get3A_55, %get3A_56] : memref<256x128xf32, #tpu.memory_space<vmem>>, vector<256x128xf32>
      %dot_general3A_58 = arith.constant dense<0.000000e+00> : vector<64x128xf32>
      %dot_general3A_59 = tpu.matmul %max3A_54, %get3A_57, %dot_general3A_58 {dimension_numbers = #tpu.dot_dimension_numbers<[1], [0], [0], [1], [0, 0, 1, 1], [], []>, transpose_lhs_hint = false} : vector<64x256xf32>, vector<256x128xf32>, vector<64x128xf32> -> vector<64x128xf32>
      %get3A_60 = arith.constant 0 : index
      %get3A_61 = arith.constant 0 : index
      %get3A_62 = vector.load %arg8[%get3A_60, %get3A_61] : memref<1x128xf32, #tpu.memory_space<vmem>>, vector<1x128xf32>
      %add3A_63 = vector.broadcast %get3A_62 : vector<1x128xf32> to vector<64x128xf32>
      %add3A_64 = arith.addf %dot_general3A_59, %add3A_63 : vector<64x128xf32>
      %swap3A_65 = arith.constant 0 : index
      %swap3A_66 = arith.constant 0 : index
      %swap3A_67 = vector.load %arg9[%swap3A_65, %swap3A_66] : memref<64x128xf32, #tpu.memory_space<vmem>>, vector<64x128xf32>
      tpu.vector_store %arg9[%swap3A_65, %swap3A_66], %add3A_64 {strides = array<i32>} : memref<64x128xf32, #tpu.memory_space<vmem>>, vector<64x128xf32>,
    } else {
    }
    return
  }
  func.func @transform_0(%arg0: i32) -> (i32, i32) {
    %c0_i32 = arith.constant 0 : i32
    %c0_i32_0 = arith.constant 0 : i32
    return %arg0, %c0_i32 : i32, i32
  }
  func.func @transform_1(%arg0: i32) -> (i32, i32, i32) {
    %c0_i32 = arith.constant 0 : i32
    %c0_i32_0 = arith.constant 0 : i32
    %c0_i32_1 = arith.constant 0 : i32
    %c0_i32_2 = arith.constant 0 : i32
    return %c0_i32, %c0_i32_0, %c0_i32_1 : i32, i32, i32
  }
  func.func @transform_2(%arg0: i32) -> (i32, i32) {
    %c0_i32 = arith.constant 0 : i32
    %c0_i32_0 = arith.constant 0 : i32
    %c0_i32_1 = arith.constant 0 : i32
    return %c0_i32, %c0_i32_0 : i32, i32
  }
  func.func @transform_3(%arg0: i32) -> (i32, i32) {
    %c0_i32 = arith.constant 0 : i32
    %c0_i32_0 = arith.constant 0 : i32
    %c0_i32_1 = arith.constant 0 : i32
    return %c0_i32, %c0_i32_0 : i32, i32
  }
  func.func @transform_4(%arg0: i32) -> (i32, i32) {
    %c0_i32 = arith.constant 0 : i32
    %c0_i32_0 = arith.constant 0 : i32
    %c0_i32_1 = arith.constant 0 : i32
    return %c0_i32, %c0_i32_0 : i32, i32
  }
  func.func @transform_5(%arg0: i32) -> (i32, i32) {
    %c0_i32 = arith.constant 0 : i32
    %c0_i32_0 = arith.constant 0 : i32
    %c0_i32_1 = arith.constant 0 : i32
    return %c0_i32, %c0_i32_0 : i32, i32
  }
  func.func @transform_6(%arg0: i32) -> (i32, i32) {
    %c0_i32 = arith.constant 0 : i32
    %c0_i32_0 = arith.constant 0 : i32
    %c0_i32_1 = arith.constant 0 : i32
    return %c0_i32, %c0_i32_0 : i32, i32
  }
  func.func @transform_7(%arg0: i32) -> (i32, i32) {
    %c0_i32 = arith.constant 0 : i32
    %c0_i32_0 = arith.constant 0 : i32
    %c0_i32_1 = arith.constant 0 : i32
    return %c0_i32, %c0_i32_0 : i32, i32
  }
  func.func @transform_8(%arg0: i32) -> (i32, i32) {
    %c0_i32 = arith.constant 0 : i32
    %c0_i32_0 = arith.constant 0 : i32
    %c0_i32_1 = arith.constant 0 : i32
    return %c0_i32, %c0_i32_0 : i32, i32
  }
}

</mosaic_0001>

<sc_bundles>
// kernel: kernel.10.cloned.1.call-start
scs
__scs_entry_jumppad:
0x0: {  	(pc) =	sbr.rel $0x88, $3  }
0x1: {  	(tag) =	ssettag $0x0;
	lr =	simm.s32 $0x1  }
0x2: {  	[smem:$0x3F94] =	sst lr;
	_ =	strace $0xD0000000  }
0x3: {  	_ = 	snop  }
0x4: {  	_ = 	snop  }
0x5: {  	_ = 	snop  }
0x6: {  	_ = 	snop  }
0x7: {  	_ = 	snop  }
__scs_overlays_trampoline_lowered:
0x8: {  	[smem:$0x3FA3] =	sst s0  }
0x9: {  	[smem:$0x3FA4] =	sst s1  }
0xa: {  	[smem:$0x3FA5] =	sst s2  }
0xb: {  	[smem:$0x3FA6] =	sst s3  }
0xc: {  	[smem:$0x3FA7] =	sst s4  }
0xd: {  	[smem:$0x3FA8] =	sst s5  }
0xe: {  	[smem:$0x3FA9] =	sst s6  }
0xf: {  	[smem:$0x3FAA] =	sst s7  }
0x10: {  	[smem:$0x3FAB] =	sst s8  }
0x11: {  	[smem:$0x3FAC] =	sst s9;
	s0 =	simm.s32 @!p0 $0x0  }
0x12: {  	s1 =	sld [smem:$0x3F92];
	s0 =	simm.s32 @p0 $0x1  }
0x13: {  	[smem:$0x3FAD] =	sst s0;
	s0 =	simm.s32 @!p1 $0x0  }
0x14: {  	s2 =	sld [smem:$0x3F91];
	s0 =	simm.s32 @p1 $0x1  }
0x15: {  	[smem:$0x3FAE] =	sst s0;
	s0 =	simm.s32 @!p2 $0x0  }
0x16: {  	s3 =	sld [smem:$0x3FDB];
	s0 =	simm.s32 @p2 $0x1  }
0x17: {  	s4 =	simm.s32 $0x1BF5;
	[smem:$0x3FB0] =	sst s0  }
0x18: {  	s0 =	sld [smem:$0x3F93];
	_ =	swait.ge [sflag:s4], $0x0  }
0x19: {  	s7 =	sld [smem:$0x3F94]  }
0x1a: {  	s8 =	sadd.s32 $0xFFFFE003, lr  }
0x1b: {  	s9 =	sadd.s32 $0xFFFFFEF7, lr;
	s5 =	simm.s32 $0xFFFFFFFF;
	p2 =	slt.u32 s8, $0xFFFFF086  }
0x1c: {  	p1 =	slt.u32 s9, $0xF7A;
	s5 =	simm.s32 @!p2 $0x0  }
0x1d: {  	s5 =	simm.s32 @p1 $0x1;
	p0 =	seq.s32 s7, s2  }
0x1e: {  	s7 =	smul.u32 @!p0 $0xF7A, s2;
	p2 =	seq.s32 @!p0 s5, $0x0  }
0x1f: {  	s9 =	smul.u32 $0xF7A, s1;
	s8 =	simm.s32 @!p0 $0x1BF5;
	p2 =	por !p2, p0  }
0x20: {  	[sflag:s8] =	ssyncset.s32 @!p0 $0xFFFFF086;
	s6 =	sadd.s32 @!p0 s3, s7;
	s7 =	simm.s32 @!p0 $0x108  }
0x21: {  	s3 =	sadd.s32 s3, s9;
	s6 =	sadd.s32 @!p0 $0x88, s6;
	s7 =	simm.s32 @p2 $0x1082  }
0x22: {  	[simem:s7], [sflag:s8] =	dma.local @!p0 [hbm:s6], $0xF7A  }
0x23: {  	s9 =	sor.u32 $0xD0000000, s2;
	s6 =	simm.s32 $0x108;
	_ =	swait.ge @!p0 [sflag:s8], $0x0  }
0x24: {  	s3 =	sadd.s32 $0x88, s3;
	s6 =	simm.s32 @!p1 $0x1082;
	[sflag:s4] =	ssyncset.s32 $0xFFFFF086  }
0x25: {  	[simem:s6], [sflag:s4] =	dma.local [hbm:s3], $0xF7A  }
0x26: {  	[smem:$0x3F94] =	sst s1;
	(tag) =	ssettag s2;
	_ =	strace s9  }
0x27: {  	s1 =	sld [smem:$0x3FA4]  }
0x28: {  	s2 =	sld [smem:$0x3FA5]  }
0x29: {  	s4 =	sld [smem:$0x3FA7]  }
0x2a: {  	p0 =	seq.s32 s5, $0x0;
	s5 =	sld [smem:$0x3FA8]  }
0x2b: {  	s6 =	sld [smem:$0x3FA9]  }
0x2c: {  	s7 =	sld [smem:$0x3FAA]  }
0x2d: {  	s3 =	simm.s32 $0x108;
	s8 =	sld [smem:$0x3FAB]  }
0x2e: {  	s3 =	simm.s32 @!p0 $0x1082;
	s9 =	sld [smem:$0x3FAC]  }
0x2f: {  	lr =	sadd.s32 s0, s3;
	s0 =	sld [smem:$0x3FA3]  }
0x30: {  	s3 =	sld [smem:$0x3FA6]  }
0x31: {  	[smem:$0x3FAF] =	sst s10  }
0x32: {  	s10 =	sld [smem:$0x3FAD];
	_ =	sdelay $0x3  }
0x33: {  	p0 =	seq.s32 s10, $0x1;
	s10 =	sld [smem:$0x3FAF];
	_ =	sdelay $0x3  }
0x34: {  	[smem:$0x3FAF] =	sst s10  }
0x35: {  	s10 =	sld [smem:$0x3FAE];
	_ =	sdelay $0x3  }
0x36: {  	p1 =	seq.s32 s10, $0x1;
	s10 =	sld [smem:$0x3FAF];
	_ =	sdelay $0x3  }
0x37: {  	[smem:$0x3FAF] =	sst s10  }
0x38: {  	s10 =	sld [smem:$0x3FB0]  }
0x39: {  	_ = 	snop;
	(pc) =	sbr.ind lr, $3  }
0x3a: {  	_ = 	snop  }
0x3b: {  	_ = 	snop  }
0x3c: {  	p2 =	seq.s32 s10, $0x1;
	s10 =	sld [smem:$0x3FAF]  }
0x3d: {  	_ =	shalt  }
0x3e: {  	_ =	shalt  }
0x3f: {  	_ =	shalt  }
0x40: {  	_ =	shalt  }
0x41: {  	_ =	shalt  }
0x42: {  	_ =	shalt  }
0x43: {  	_ =	shalt  }
0x44: {  	_ =	shalt  }
0x45: {  	_ =	shalt  }
0x46: {  	_ =	shalt  }
0x47: {  	_ =	shalt  }
0x48: {  	_ =	shalt  }
0x49: {  	_ =	shalt  }
0x4a: {  	_ =	shalt  }
0x4b: {  	_ =	shalt  }
0x4c: {  	_ =	shalt  }
0x4d: {  	_ =	shalt  }
0x4e: {  	_ =	shalt  }
0x4f: {  	_ =	shalt  }
0x50: {  	_ =	shalt  }
0x51: {  	_ =	shalt  }
0x52: {  	_ =	shalt  }
0x53: {  	_ =	shalt  }
0x54: {  	_ =	shalt  }
0x55: {  	_ =	shalt  }
0x56: {  	_ =	shalt  }
0x57: {  	_ =	shalt  }
0x58: {  	_ =	shalt  }
0x59: {  	_ =	shalt  }
0x5a: {  	_ =	shalt  }
0x5b: {  	_ =	shalt  }
0x5c: {  	_ =	shalt  }
0x5d: {  	_ =	shalt  }
0x5e: {  	_ =	shalt  }
0x5f: {  	_ =	shalt  }
0x60: {  	_ =	shalt  }
0x61: {  	_ =	shalt  }
0x62: {  	_ =	shalt  }
0x63: {  	_ =	shalt  }
0x64: {  	_ =	shalt  }
0x65: {  	_ =	shalt  }
0x66: {  	_ =	shalt  }
0x67: {  	_ =	shalt  }
0x68: {  	_ =	shalt  }
0x69: {  	_ =	shalt  }
0x6a: {  	_ =	shalt  }
0x6b: {  	_ =	shalt  }
0x6c: {  	_ =	shalt  }
0x6d: {  	_ =	shalt  }
0x6e: {  	_ =	shalt  }
0x6f: {  	_ =	shalt  }
0x70: {  	_ =	shalt  }
0x71: {  	_ =	shalt  }
0x72: {  	_ =	shalt  }
0x73: {  	_ =	shalt  }
0x74: {  	_ =	shalt  }
0x75: {  	_ =	shalt  }
0x76: {  	_ =	shalt  }
0x77: {  	_ =	shalt  }
0x78: {  	_ =	shalt  }
0x79: {  	_ =	shalt  }
0x7a: {  	_ =	shalt  }
0x7b: {  	_ =	shalt  }
0x7c: {  	_ =	shalt  }
0x7d: {  	_ =	shalt  }
0x7e: {  	_ =	shalt  }
0x7f: {  	_ =	shalt  }
0x80: {  	_ =	shalt  }
0x81: {  	_ =	shalt  }
0x82: {  	_ =	shalt  }
0x83: {  	_ =	shalt  }
0x84: {  	_ =	shalt  }
0x85: {  	_ =	shalt  }
0x86: {  	_ =	shalt  }
0x87: {  	_ =	shalt  }
.Lfunc_end0:
.L_simem_size_0:
called_computation_lowered:
.L_overlay_start_0:
0x88: {  	s2 =	sld [smem:$0x3FD9]  }
0x89: {  	s3 =	sld [smem:$0x3FFE];
	_ =	sdelay $0x1  }
0x8a: {  	s1 =	srdreg.scid  }
0x8b: {  	s0 =	sand.u32 $0x1, s1  }
0x8c: {  	s16 =	sshll.u32 s0, $0xA;
	s2 =	sadd.s32 s3, s2  }
0x8d: {  	s2 =	sadd.s32 s2, s16  }
0x8e: {  	[smem:$0x3FBB] =	sst s2  }
0x8f: {  	_ = 	snop  }
0x90: {  	(tm) =	ssettm $0x1  }
0x91: {  	s17 =	sld [smem:$0x3FFB];
	_ =	sdelay $0x3  }
0x92: {  	_ =	strace s17  }
0x93: {  	s2 =	sld [smem:$0x3FFC];
	_ =	sdelay $0x3  }
0x94: {  	_ =	strace s2  }
0x95: {  	s2 =	sld [smem:$0x3FFD];
	_ =	sdelay $0x3  }
0x96: {  	_ =	strace s2  }
0x97: {  	_ =	strace $0x8FFFFFFF  }
0x98: {  	s18 =	sld [smem:$0x3FDB];
	_ =	sdelay $0x1  }
0x99: {  	s19 =	simm.s32 $_scs_section_size  }
0x9a: {  	s4 =	simm.s32 $_size__tile_overlayer_lowered;
	s5 =	simm.s32 $_tile_overlayer_lowered  }
0x9b: {  	s22 =	simm.s32 $0x1BFF;
	s21 =	sshll.u32 s5, $0x1;
	s2 =	sadd.s32 s19, s18  }
0x9c: {  	s6 =	simm.s32 $0x0;
	s20 =	sshll.u32 s4, $0x1;
	s4 =	sadd.s32 s21, s2  }
0x9d: {  	[timem:s6], [sflag:s22] =	dma.local [hbm:s4], s20  }
0x9e: {  	_ =	swait.ge [sflag:s22], s20  }
0x9f: {  	s3 =	ssub.s32 $0x0, s20;
	[sflag:s22] =	ssyncset.done $0x0  }
0xa0: {  	[sflag:s22] =	ssyncadd.s32 s3;
	_ =	sdelay $0x1  }
0xa1: {  	s23 =	simm.s32 $0x1B8B  }
0xa2: {  	_ =	swait.ge [sflag:s23], $0x1  }
0xa3: {  	[sflag:s23] =	ssyncset.done $0x0  }
0xa4: {  	s25 =	simm.s32 $0x1B8E;
	s24 =	sld [smem:$0x3FFE];
	[sflag:s23] =	ssyncadd.s32 $0xFFFFFFFF  }
0xa5: {  	s26 =	simm.s32 $execute0_lowered;
	[smem:$0x3FD2] =	sst s25  }
0xa6: {  	s4 =	sshll.u32 s26, $0x1;
	_ =	strace $0x80000046;
	[dreg:$0x1] =	wrdreg $0xFFFFFFFF  }
0xa7: {  	s28 =	simm.s32 $_size_execute0_lowered;
	s2 =	sadd.s32 s2, s4;
	[dreg:$0x0] =	wrdreg $0x0  }
0xa8: {  	s4 =	sshll.u32 s28, $0x1;
	[dreg:$0x2] =	wrdreg s2  }
0xa9: {  	[dreg:$0x3] =	wrdreg s4  }
0xaa: {  	[dreg:$0x4] =	wrdreg $0xC0  }
0xab: {  	_ =	task [dreg:s6], $0x5FFFF  }
0xac: {  	[dreg:$0x1] =	wrdreg $0xFFFFFFFF  }
0xad: {  	[dreg:$0x0] =	wrdreg $0x60  }
0xae: {  	[dreg:$0x2] =	wrdreg s24  }
0xaf: {  	[dreg:$0x3] =	wrdreg $0xA8000  }
0xb0: {  	[dreg:$0x4] =	wrdreg $0x144400  }
0xb1: {  	[dreg:$0x5] =	wrdreg $0x9  }
0xb2: {  	_ =	task.clear_ibuf [dreg:s6], $0x6FFFF;
	_ =	strace $0x90000046  }
0xb3: {  	s29 =	simm.s32 $0x9;
	_ =	strace $0x80000048  }
0xb4: {  	_ =	swait.ge [sflag:s29], $0x1  }
0xb5: {  	[sflag:s29] =	ssyncadd.s32 $0xFFFFFFFF  }
0xb6: {  	_ =	strace $0x90000048  }
0xb7: {  	_ =	sfence  }
0xb8: {  	s30 =	sld [smem:$0x0];
	_ =	sdelay $0x2  }
0xb9: {  	s31 =	sshll.u32 s1, $0xD;
	s1 =	sshrl.u32 s1, $0x2  }
0xba: {  	s3 =	sand.u32 $0x4000, s31;
	s1 =	sadd.s32 s1, s30  }
0xbb: {  	s0 =	sor.u32 s3, s0;
	s1 =	sshll.u32 s1, $0x11  }
0xbc: {  	s0 =	sor.u32 s1, s0  }
0xbd: {  	s0 =	sadd.s32 $0x8F2B, s0  }
0xbe: {  	[sflag:s0] =	ssyncadd.remote.s32 $0x1  }
0xbf: {  	_ =	sfence.sel $0xFFFF  }
0xc0: {  	[dreg:$0x0] =	wrdreg $0xFFFFFFFF;
	(pc) =	sbr.abs _section_cstart, $3  }
0xc1: {  	[dreg:$0x1] =	wrdreg $0xFFFFFFFF  }
0xc2: {  	_ =	task.clear_ibuf [dreg:s6], $0x2FFFF;
	_ =	strace $0x9FFFFFFF  }
0xc3: {  	(tm) =	ssettm $0x7FFFFFFF  }
tec
execute0_lowered:
.L_overlay_start_1:
0x0: {  	(tag) =	ssettag $0x1  }
0x1: {  	s0 =	rddreg [dreg:$0x0]  }
0x2: {  	s1 =	srdreg.scid;
	s2 =	rddreg [dreg:$0x1]  }
0x3: {  	s11 =	stileid.u32;
	s3 =	rddreg [dreg:$0x2]  }
0x4: {  	s4 =	simm.s32 $0x0;
	s17 =	simm.s32 $0x3400;
	s28 =	simm.s32 $0x6800  }
0x5: {  	s29 =	simm.s32 $0x8800;
	s30 =	simm.s32 $0x4;
	s5 =	smul.u32 $0x13880, s11  }
0x6: {  	s31 =	simm.s32 $0x20;
	s1 =	sand.u32 $0x1, s1;
	s7 =	smul.u32 $0x13C00, s11  }
0x7: {  	[smem:$0x7FF] =	sst s4;
	s8 =	sadd.s32 $0x3D200, s0;
	s10 =	smul.u32 $0x27100, s11  }
0x8: {  	s12 =	smul.u32 $0x27800, s11;
	s6 =	sshll.u32 s1, $0x6;
	_ =	strace $0x80000047  }
0x9: {  	[dreg:$0x4] =	wrdreg s8;
	s1 =	ssub.s32 $0x2, s1;
	s5 =	sor.u32 s6, s5  }
0xa: {  	s6 =	sor.u32 s6, s7;
	s7 =	smul.u32 $0x4E20, s11;
	s19 =	sshrl.u32 s1, $0x1  }
0xb: {  	s10 =	sshrl.u32 s10, $0x2;
	s11 =	sshll.u32 s11, $0x6;
	s23 =	sshrl.u32 s12, $0x2  }
0xc: {  	s5 =	sshrl.u32 s5, $0x3;
	s6 =	sshrl.u32 s6, $0x3;
	s1 =	ssub.s32 s1, s19  }
0xd: {  	s22 =	sadd.s32 s10, s2;
	s24 =	sor.u32 $0x1C01, s11;
	s19 =	simm.s32 $0x1  }
0xe: {  	s9 =	sadd.s32 s5, s0;
	s5 =	sadd.s32 $0x2600, s0;
	s0 =	sadd.s32 s6, s0  }
0xf: {  	s20 =	sshrl.u32 s7, $0x3;
	[dreg:$0x7] =	wrdreg s24;
	s16 =	smax.u32 s1, $0x1  }
0x10: {  	s18 =	sshrl.u32 s22, $0x3;
	s22 =	sor.u32 $0x1C02, s11;
	s9 =	sadd.s32 $0x16000, s9  }
0x11: {  	s8 =	sadd.s32 s5, s20;
	s0 =	sadd.s32 $0x3FA00, s0;
	[dreg:$0x6] =	wrdreg s9  }
0x12: {  	s24 =	simm.s32 $0x2;
	s21 =	sadd.s32 $0x9C40, s8;
	[dreg:$0xa] =	wrdreg s0  }
0x13: {  	s1 =	simm.s32 $0x0;
	s25 =	sadd.s32 $0x9C0, s8;
	[dreg:$0x5] =	wrdreg s21  }
0x14: {  	s20 =	simm.s32 $0x8;
	s26 =	sadd.s32 $0xA600, s8;
	[dreg:$0x8] =	wrdreg s25  }
0x15: {  	s9 =	sadd.s32 s23, s3;
	[dreg:$0x9] =	wrdreg s26;
	s21 =	simm.s32 $0x10  }
0x16: {  	s23 =	sshrl.u32 s9, $0x3;
	s25 =	simm.s32 $0x3;
	s26 =	simm.s32 $0x80  }
.LBB2_1:
0x17: {  	[tilespmem:s4], [sflag:$0x3] =	stream.linear.gather [hbm4b:s8+s4], $0x1A00, $0x38;
	[tilespmem:$0x1E240] =	vst v63  }
0x18: {  	s0 =	rddreg [dreg:$0x5]  }
0x19: {  	s15 =	rddreg [dreg:$0x6]  }
0x1a: {  	s6 =	rddreg [dreg:$0x7]  }
0x1b: {  	[tilespmem:s17], [sflag:$0x3] =	stream.linear.gather [hbm4b:s0+s4], $0x1A00, $0x38;
	[tilespmem:$0x1E240] =	vst v63  }
0x1c: {  	[spmem:s18@s20], [sflag:s6] =	dma.strided [hbm:s15@s21], $0x1388, s19, $0x8   }
0x1d: {  	s0 =	rddreg [dreg:$0x4]  }
0x1e: {  	[spmem:s23@s20], [sflag:s22] =	dma.strided [hbm:s0@s21], $0x13C0, s19, $0x8   }
0x1f: {  	_ =	swait.ge [sflag:s19], $0x1388  }
0x20: {  	[sflag:s19] =	ssyncset.done $0x0  }
0x21: {  	[sflag:s19] =	ssyncadd.s32 $0xFFFFEC78  }
0x22: {  	_ =	swait.ge [sflag:s24], $0x13C0  }
0x23: {  	[sflag:s24] =	ssyncset.done $0x0  }
0x24: {  	[sflag:s24] =	ssyncadd.s32 $0xFFFFEC40  }
0x25: {  	p0 =	por $0x0, $0x0;
	s0 =	simm.s32 $0x0;
	[bflag:$0x0] =	sbarrier.arrive $0xFFFF  }
.LBB2_2:
0x26: {  	_ =	swait.ge [sflag:s25], $0x1A00;
	s9 =	smov.u32 s0  }
0x27: {  	s10 =	sand.u32 $0x1, s0;
	s0 =	sadd.s32 $0x1, s0;
	[sflag:s25] =	ssyncset.done $0x0  }
0x28: {  	s6 =	smul.u32 $0x1A00, s10;
	p1 =	seq.s32 s9, $0x2;
	[sflag:s25] =	ssyncadd.s32 $0xFFFFE600  }
0x29: {  	s12 =	smul.u32 @!p1 $0x1A00, s0;
	_ =	swait.ge [sflag:s25], $0x1A00  }
0x2a: {  	s9 =	sxor.u32 @!p1 $0x1, s10;
	[sflag:s25] =	ssyncset.done $0x0  }
0x2b: {  	s15 =	sor.u32 $0x80, s6;
	s10 =	sadd.s32 @!p1 s7, s12;
	[sflag:s25] =	ssyncadd.s32 $0xFFFFE600  }
0x2c: {  	[tilespmem:s28], [sflag:$0x1] =	stream.indirect.gather [spmem:s2], $0x40, s6, s26, $0xb8;
	[tilespmem:$0x1E240] =	vst v63  }
0x2d: {  	s9 =	smul.u32 @!p1 $0x1A00, s9;
	s12 =	simm.s32 $0x1;
	s10 =	sshrl.u32 @!p1 s10, $0x3  }
0x2e: {  	[tilespmem:s29], [sflag:$0x2] =	stream.indirect.gather [spmem:s2], $0x40, s15, s26, $0xb8;
	[tilespmem:$0x1E240] =	vst v63  }
0x2f: {  	s13 =	simm.s32 @!p1 $0x0;
	s12 =	simm.s32 @!p0 $0x0;
	s10 =	sadd.s32 @!p1 s5, s10  }
0x30: {  	[tilespmem:s9], [sflag:$0x3] =	stream.linear.gather @!p1 [hbm4b:s10+s13], $0x1A00, $0x38;
	[tilespmem:$0x1E240] =	vst v63  }
0x31: {  	s12 =	smul.u32 $0x6800, s12;
	s9 =	sadd.s32 @!p1 $0x3400, s9;
	s10 =	sadd.s32 @!p1 $0x9C40, s10  }
0x32: {  	[tilespmem:s9], [sflag:$0x3] =	stream.linear.gather @!p1 [hbm4b:s10+s13], $0x1A00, $0x38;
	[tilespmem:$0x1E240] =	vst v63  }
0x33: {  	s9 =	sshrl.u32 s12, $0x2;
	_ =	swait.ge [sflag:s19], $0x2000  }
0x34: {  	s10 =	sadd.s32 $0x3400, s9;
	[sflag:s19] =	ssyncset.done $0x0  }
0x35: {  	s13 =	sadd.s32 $0x0, s10;
	[sflag:s19] =	ssyncadd.s32 $0xFFFFE000  }
0x36: {  	[spmem:s3] =	stream.indirect.scatter.add.f32 [tilespmem:s28], [sflag:$0x4], $0x40, s13, s26, $0xb8;
	[tilespmem:$0x1E240] =	vst v63  }
0x37: {  	_ =	swait.ge [sflag:s30], $0x2000  }
0x38: {  	s15 =	sadd.s32 $0x0, s9;
	[sflag:s30] =	ssyncset.done $0x0  }
0x39: {  	s14 =	sadd.s32 $0x100, s15;
	[sflag:s30] =	ssyncadd.s32 $0xFFFFE000  }
0x3a: {  	[tilespmem:s28], [sflag:$0x1] =	stream.indirect.gather [spmem:s2], $0x40, s14, s26, $0xb8;
	[tilespmem:$0x1E240] =	vst v63  }
0x3b: {  	_ =	swait.ge [sflag:s24], $0x2000  }
0x3c: {  	[sflag:s24] =	ssyncset.done $0x0  }
0x3d: {  	s12 =	sadd.s32 $0x80, s13;
	[sflag:s24] =	ssyncadd.s32 $0xFFFFE000  }
0x3e: {  	[spmem:s3] =	stream.indirect.scatter.add.f32 [tilespmem:s29], [sflag:$0x4], $0x40, s12, s26, $0xb8;
	[tilespmem:$0x1E240] =	vst v63  }
0x3f: {  	_ =	swait.ge [sflag:s30], $0x2000  }
0x40: {  	[sflag:s30] =	ssyncset.done $0x0  }
0x41: {  	s13 =	sadd.s32 $0x180, s15;
	s12 =	simm.s32 $0x400;
	[sflag:s30] =	ssyncadd.s32 $0xFFFFE000  }
.LBB2_3:
0x42: {  	[tilespmem:s29], [sflag:$0x2] =	stream.indirect.gather [spmem:s2], $0x40, s13, s26, $0xb8;
	[tilespmem:$0x1E240] =	vst v63  }
0x43: {  	s13 =	smov.u32 s12  }
0x44: {  	p1 =	sne.s32 s12, $0x6000;
	s12 =	sadd.s32 $0x400, s12;
	_ =	swait.ge [sflag:s19], $0x2000  }
0x45: {  	s13 =	sshra.s32 s13, $0x2;
	[sflag:s19] =	ssyncset.done $0x0  }
0x46: {  	s14 =	sadd.s32 s13, s10;
	s13 =	sadd.s32 s13, s9;
	[sflag:s19] =	ssyncadd.s32 $0xFFFFE000  }
0x47: {  	[spmem:s3] =	stream.indirect.scatter.add.f32 [tilespmem:s28], [sflag:$0x4], $0x40, s14, s26, $0xb8;
	[tilespmem:$0x1E240] =	vst v63  }
0x48: {  	_ =	swait.ge [sflag:s30], $0x2000  }
0x49: {  	[sflag:s30] =	ssyncset.done $0x0  }
0x4a: {  	s15 =	sadd.s32 $0x100, s13;
	[sflag:s30] =	ssyncadd.s32 $0xFFFFE000  }
0x4b: {  	[tilespmem:s28], [sflag:$0x1] =	stream.indirect.gather [spmem:s2], $0x40, s15, s26, $0xb8;
	[tilespmem:$0x1E240] =	vst v63  }
0x4c: {  	_ =	swait.ge [sflag:s24], $0x2000  }
0x4d: {  	[sflag:s24] =	ssyncset.done $0x0  }
.Ltmp0:
0x4e: {  	s14 =	sadd.s32 $0x80, s14;
	[sflag:s24] =	ssyncadd.s32 $0xFFFFE000;
	(pc) =	sbr.rel @p1 .LBB2_3-.Ltmp0, $4  }
0x4f: {  	[spmem:s3] =	stream.indirect.scatter.add.f32 [tilespmem:s29], [sflag:$0x4], $0x40, s14, s26, $0xb8;
	[tilespmem:$0x1E240] =	vst v63  }
0x50: {  	_ =	swait.ge [sflag:s30], $0x2000  }
0x51: {  	[sflag:s30] =	ssyncset.done $0x0  }
0x52: {  	s13 =	sadd.s32 $0x180, s13;
	[sflag:s30] =	ssyncadd.s32 $0xFFFFE000  }
0x53: {  	[tilespmem:s29], [sflag:$0x2] =	stream.indirect.gather [spmem:s2], $0x40, s13, s26, $0xb8;
	[tilespmem:$0x1E240] =	vst v63  }
0x54: {  	_ =	swait.ge [sflag:s19], $0x2000  }
0x55: {  	[sflag:s19] =	ssyncset.done $0x0  }
0x56: {  	s9 =	sadd.s32 $0x4D00, s6;
	[sflag:s19] =	ssyncadd.s32 $0xFFFFE000  }
0x57: {  	[spmem:s3] =	stream.indirect.scatter.add.f32 [tilespmem:s28], [sflag:$0x4], $0x40, s9, s26, $0xb8;
	[tilespmem:$0x1E240] =	vst v63  }
0x58: {  	_ =	swait.ge [sflag:s30], $0x2000  }
0x59: {  	[sflag:s30] =	ssyncset.done $0x0  }
0x5a: {  	[sflag:s30] =	ssyncadd.s32 $0xFFFFE000  }
0x5b: {  	_ =	swait.ge [sflag:s24], $0x2000  }
0x5c: {  	p1 =	sne.s32 s0, $0x3;
	[sflag:s24] =	ssyncset.done $0x0  }
.Ltmp1:
0x5d: {  	s15 =	sadd.s32 $0x4D80, s6;
	[sflag:s24] =	ssyncadd.s32 $0xFFFFE000;
	(pc) =	sbr.rel @p1 .LBB2_2-.Ltmp1, $4  }
0x5e: {  	[spmem:s3] =	stream.indirect.scatter.add.f32 [tilespmem:s29], [sflag:$0x4], $0x40, s15, s26, $0xb8;
	[tilespmem:$0x1E240] =	vst v63  }
0x5f: {  	_ =	swait.ge [sflag:s30], $0x2000  }
0x60: {  	[sflag:s30] =	ssyncset.done $0x0  }
0x61: {  	p0 =	por !p0, !p0;
	[sflag:s30] =	ssyncadd.s32 $0xFFFFE000  }
0x62: {  	s0 =	rddreg [dreg:$0x8]  }
0x63: {  	[tilespmem:s4], [sflag:$0x4] =	stream.linear.gather [hbm4b:s0+s4], $0x20, $0x38;
	[tilespmem:$0x1E240] =	vst v63  }
0x64: {  	_ =	swait.ge [sflag:s30], $0x20  }
0x65: {  	[sflag:s30] =	ssyncset.done $0x0  }
0x66: {  	s14 =	rddreg [dreg:$0x9];
	[sflag:s30] =	ssyncadd.s32 $0xFFFFFFE0  }
0x67: {  	[tilespmem:s17], [sflag:$0x4] =	stream.linear.gather [hbm4b:s14+s4], $0x20, $0x38;
	[tilespmem:$0x1E240] =	vst v63  }
0x68: {  	_ =	swait.ge [sflag:s30], $0x20  }
0x69: {  	[sflag:s30] =	ssyncset.done $0x0  }
0x6a: {  	[sflag:s30] =	ssyncadd.s32 $0xFFFFFFE0  }
0x6b: {  	[tilespmem:s28], [sflag:$0x4] =	stream.indirect.gather [spmem:s2], $0x40, s4, s31, $0xb8;
	[tilespmem:$0x1E240] =	vst v63  }
0x6c: {  	_ =	swait.ge [sflag:s30], $0x800  }
0x6d: {  	[sflag:s30] =	ssyncset.done $0x0  }
0x6e: {  	[sflag:s30] =	ssyncadd.s32 $0xFFFFF800  }
0x6f: {  	[spmem:s3] =	stream.indirect.scatter.add.f32 [tilespmem:s28], [sflag:$0x4], $0x40, s17, s31, $0xb8;
	[tilespmem:$0x1E240] =	vst v63  }
0x70: {  	_ =	swait.ge [sflag:s30], $0x800  }
0x71: {  	[sflag:s30] =	ssyncset.done $0x0  }
0x72: {  	s1 =	sadd.s32 $0x1, s1;
	[sflag:s30] =	ssyncadd.s32 $0xFFFFF800  }
0x73: {  	p0 =	sne.s32 s1, s16;
	[bflag:$0x0] =	sbarrier.arrive $0xFFFF  }
.Ltmp2:
0x74: {  	s15 =	sor.u32 $0x1C04, s11;
	s6 =	rddreg [dreg:$0xa];
	(pc) =	sbr.rel @p0 .LBB2_1-.Ltmp2, $4  }
0x75: {  	[hbm:s6@s21], [sflag:s15] =	dma.strided [spmem:s23@s20], $0x13C0, s19, $0x8   }
0x76: {  	_ =	swait.ge [sflag:s30], $0x13C0  }
0x77: {  	[sflag:s30] =	ssyncset.done $0x0  }
0x78: {  	[sflag:s30] =	ssyncadd.s32 $0xFFFFEC40  }
0x79: {  	_ =	sfence.sel $0x180000  }
0x7a: {  	[bflag:$0x0] =	sbarrier.arrive $0xFFFF  }
0x7b: {  	_ =	strace $0x90000047  }
0x7c: {  	s0 =	stileid.u32;
	[bflag:$0x2] =	sbarrier.arrive $0xFFFF  }
0x7d: {  	p0 =	sne.s32 s0, $0x0;
	s0 =	rddreg [dreg:$0x3]  }
0x7e: {  	s0 =	sadd.s32 @!p0 $0x100000, s0  }
0x7f: {  	[sflag:s0] =	ssyncadd.tile.s32 @!p0 $0x1;
	_ =	shalt  }
.Lfunc_end2:
_tile_overlayer_lowered:
.L_overlay_start_2:
0x80: {  	(tag) =	ssettag $0x2  }
0x81: {  	s0 =	rddreg [dreg:$0x0];
	s2 =	stileid.u32  }
0x82: {  	s1 =	rddreg [dreg:$0x1];
	p0 =	sne.s32 s2, $0x0  }
0x83: {  	s3 =	rddreg [dreg:$0x2];
	[bflag:$0x3] =	sbarrier.arrive $0xFFFF;
	s2 =	simm.s32 @!p0 $0x1C04  }
0x84: {  	[timem:s3], [sflag:s2] =	dma.local @!p0 [hbm:s0], s1  }
0x85: {  	s0 =	simm.s32 @!p0 $0x4  }
0x86: {  	_ =	swait.ge @!p0 [sflag:s0], s1  }
0x87: {  	s1 =	ssub.s32 @!p0 $0x0, s1;
	[sflag:s0] =	ssyncset.done @!p0 $0x0  }
0x88: {  	[sflag:s0] =	ssyncadd.s32 @!p0 s1  }
0x89: {  	[bflag:$0x3] =	sbarrier.arrive $0xFFFF  }
0x8a: {  	_ =	shalt  }

// kernel: kernel.13.cloned.1.call-start
scs
__scs_entry_jumppad:
0x0: {  	(pc) =	sbr.rel $0x88, $3  }
0x1: {  	(tag) =	ssettag $0x0;
	lr =	simm.s32 $0x1  }
0x2: {  	[smem:$0x3F94] =	sst lr;
	_ =	strace $0xD0000000  }
0x3: {  	_ = 	snop  }
0x4: {  	_ = 	snop  }
0x5: {  	_ = 	snop  }
0x6: {  	_ = 	snop  }
0x7: {  	_ = 	snop  }
__scs_overlays_trampoline_lowered:
0x8: {  	[smem:$0x3FA3] =	sst s0  }
0x9: {  	[smem:$0x3FA4] =	sst s1  }
0xa: {  	[smem:$0x3FA5] =	sst s2  }
0xb: {  	[smem:$0x3FA6] =	sst s3  }
0xc: {  	[smem:$0x3FA7] =	sst s4  }
0xd: {  	[smem:$0x3FA8] =	sst s5  }
0xe: {  	[smem:$0x3FA9] =	sst s6  }
0xf: {  	[smem:$0x3FAA] =	sst s7  }
0x10: {  	[smem:$0x3FAB] =	sst s8  }
0x11: {  	[smem:$0x3FAC] =	sst s9;
	s0 =	simm.s32 @!p0 $0x0  }
0x12: {  	s1 =	sld [smem:$0x3F92];
	s0 =	simm.s32 @p0 $0x1  }
0x13: {  	[smem:$0x3FAD] =	sst s0;
	s0 =	simm.s32 @!p1 $0x0  }
0x14: {  	s2 =	sld [smem:$0x3F91];
	s0 =	simm.s32 @p1 $0x1  }
0x15: {  	[smem:$0x3FAE] =	sst s0;
	s0 =	simm.s32 @!p2 $0x0  }
0x16: {  	s3 =	sld [smem:$0x3FDB];
	s0 =	simm.s32 @p2 $0x1  }
0x17: {  	s4 =	simm.s32 $0x1BF5;
	[smem:$0x3FB0] =	sst s0  }
0x18: {  	s0 =	sld [smem:$0x3F93];
	_ =	swait.ge [sflag:s4], $0x0  }
0x19: {  	s7 =	sld [smem:$0x3F94]  }
0x1a: {  	s8 =	sadd.s32 $0xFFFFE003, lr  }
0x1b: {  	s9 =	sadd.s32 $0xFFFFFEF7, lr;
	s5 =	simm.s32 $0xFFFFFFFF;
	p2 =	slt.u32 s8, $0xFFFFF086  }
0x1c: {  	p1 =	slt.u32 s9, $0xF7A;
	s5 =	simm.s32 @!p2 $0x0  }
0x1d: {  	s5 =	simm.s32 @p1 $0x1;
	p0 =	seq.s32 s7, s2  }
0x1e: {  	s7 =	smul.u32 @!p0 $0xF7A, s2;
	p2 =	seq.s32 @!p0 s5, $0x0  }
0x1f: {  	s9 =	smul.u32 $0xF7A, s1;
	s8 =	simm.s32 @!p0 $0x1BF5;
	p2 =	por !p2, p0  }
0x20: {  	[sflag:s8] =	ssyncset.s32 @!p0 $0xFFFFF086;
	s6 =	sadd.s32 @!p0 s3, s7;
	s7 =	simm.s32 @!p0 $0x108  }
0x21: {  	s3 =	sadd.s32 s3, s9;
	s6 =	sadd.s32 @!p0 $0x88, s6;
	s7 =	simm.s32 @p2 $0x1082  }
0x22: {  	[simem:s7], [sflag:s8] =	dma.local @!p0 [hbm:s6], $0xF7A  }
0x23: {  	s9 =	sor.u32 $0xD0000000, s2;
	s6 =	simm.s32 $0x108;
	_ =	swait.ge @!p0 [sflag:s8], $0x0  }
0x24: {  	s3 =	sadd.s32 $0x88, s3;
	s6 =	simm.s32 @!p1 $0x1082;
	[sflag:s4] =	ssyncset.s32 $0xFFFFF086  }
0x25: {  	[simem:s6], [sflag:s4] =	dma.local [hbm:s3], $0xF7A  }
0x26: {  	[smem:$0x3F94] =	sst s1;
	(tag) =	ssettag s2;
	_ =	strace s9  }
0x27: {  	s1 =	sld [smem:$0x3FA4]  }
0x28: {  	s2 =	sld [smem:$0x3FA5]  }
0x29: {  	s4 =	sld [smem:$0x3FA7]  }
0x2a: {  	p0 =	seq.s32 s5, $0x0;
	s5 =	sld [smem:$0x3FA8]  }
0x2b: {  	s6 =	sld [smem:$0x3FA9]  }
0x2c: {  	s7 =	sld [smem:$0x3FAA]  }
0x2d: {  	s3 =	simm.s32 $0x108;
	s8 =	sld [smem:$0x3FAB]  }
0x2e: {  	s3 =	simm.s32 @!p0 $0x1082;
	s9 =	sld [smem:$0x3FAC]  }
0x2f: {  	lr =	sadd.s32 s0, s3;
	s0 =	sld [smem:$0x3FA3]  }
0x30: {  	s3 =	sld [smem:$0x3FA6]  }
0x31: {  	[smem:$0x3FAF] =	sst s10  }
0x32: {  	s10 =	sld [smem:$0x3FAD];
	_ =	sdelay $0x3  }
0x33: {  	p0 =	seq.s32 s10, $0x1;
	s10 =	sld [smem:$0x3FAF];
	_ =	sdelay $0x3  }
0x34: {  	[smem:$0x3FAF] =	sst s10  }
0x35: {  	s10 =	sld [smem:$0x3FAE];
	_ =	sdelay $0x3  }
0x36: {  	p1 =	seq.s32 s10, $0x1;
	s10 =	sld [smem:$0x3FAF];
	_ =	sdelay $0x3  }
0x37: {  	[smem:$0x3FAF] =	sst s10  }
0x38: {  	s10 =	sld [smem:$0x3FB0]  }
0x39: {  	_ = 	snop;
	(pc) =	sbr.ind lr, $3  }
0x3a: {  	_ = 	snop  }
0x3b: {  	_ = 	snop  }
0x3c: {  	p2 =	seq.s32 s10, $0x1;
	s10 =	sld [smem:$0x3FAF]  }
0x3d: {  	_ =	shalt  }
0x3e: {  	_ =	shalt  }
0x3f: {  	_ =	shalt  }
0x40: {  	_ =	shalt  }
0x41: {  	_ =	shalt  }
0x42: {  	_ =	shalt  }
0x43: {  	_ =	shalt  }
0x44: {  	_ =	shalt  }
0x45: {  	_ =	shalt  }
0x46: {  	_ =	shalt  }
0x47: {  	_ =	shalt  }
0x48: {  	_ =	shalt  }
0x49: {  	_ =	shalt  }
0x4a: {  	_ =	shalt  }
0x4b: {  	_ =	shalt  }
0x4c: {  	_ =	shalt  }
0x4d: {  	_ =	shalt  }
0x4e: {  	_ =	shalt  }
0x4f: {  	_ =	shalt  }
0x50: {  	_ =	shalt  }
0x51: {  	_ =	shalt  }
0x52: {  	_ =	shalt  }
0x53: {  	_ =	shalt  }
0x54: {  	_ =	shalt  }
0x55: {  	_ =	shalt  }
0x56: {  	_ =	shalt  }
0x57: {  	_ =	shalt  }
0x58: {  	_ =	shalt  }
0x59: {  	_ =	shalt  }
0x5a: {  	_ =	shalt  }
0x5b: {  	_ =	shalt  }
0x5c: {  	_ =	shalt  }
0x5d: {  	_ =	shalt  }
0x5e: {  	_ =	shalt  }
0x5f: {  	_ =	shalt  }
0x60: {  	_ =	shalt  }
0x61: {  	_ =	shalt  }
0x62: {  	_ =	shalt  }
0x63: {  	_ =	shalt  }
0x64: {  	_ =	shalt  }
0x65: {  	_ =	shalt  }
0x66: {  	_ =	shalt  }
0x67: {  	_ =	shalt  }
0x68: {  	_ =	shalt  }
0x69: {  	_ =	shalt  }
0x6a: {  	_ =	shalt  }
0x6b: {  	_ =	shalt  }
0x6c: {  	_ =	shalt  }
0x6d: {  	_ =	shalt  }
0x6e: {  	_ =	shalt  }
0x6f: {  	_ =	shalt  }
0x70: {  	_ =	shalt  }
0x71: {  	_ =	shalt  }
0x72: {  	_ =	shalt  }
0x73: {  	_ =	shalt  }
0x74: {  	_ =	shalt  }
0x75: {  	_ =	shalt  }
0x76: {  	_ =	shalt  }
0x77: {  	_ =	shalt  }
0x78: {  	_ =	shalt  }
0x79: {  	_ =	shalt  }
0x7a: {  	_ =	shalt  }
0x7b: {  	_ =	shalt  }
0x7c: {  	_ =	shalt  }
0x7d: {  	_ =	shalt  }
0x7e: {  	_ =	shalt  }
0x7f: {  	_ =	shalt  }
0x80: {  	_ =	shalt  }
0x81: {  	_ =	shalt  }
0x82: {  	_ =	shalt  }
0x83: {  	_ =	shalt  }
0x84: {  	_ =	shalt  }
0x85: {  	_ =	shalt  }
0x86: {  	_ =	shalt  }
0x87: {  	_ =	shalt  }
.Lfunc_end0:
.L_simem_size_0:
called_computation.1_lowered:
.L_overlay_start_0:
0x88: {  	s2 =	sld [smem:$0x3FD9]  }
0x89: {  	s3 =	sld [smem:$0x3FFE];
	_ =	sdelay $0x1  }
0x8a: {  	s1 =	srdreg.scid  }
0x8b: {  	s0 =	sand.u32 $0x1, s1  }
0x8c: {  	s16 =	sshll.u32 s0, $0xA;
	s2 =	sadd.s32 s3, s2  }
0x8d: {  	s2 =	sadd.s32 s2, s16  }
0x8e: {  	[smem:$0x3FBB] =	sst s2  }
0x8f: {  	_ = 	snop  }
0x90: {  	(tm) =	ssettm $0x1  }
0x91: {  	s17 =	sld [smem:$0x3FFB];
	_ =	sdelay $0x3  }
0x92: {  	_ =	strace s17  }
0x93: {  	s2 =	sld [smem:$0x3FFC];
	_ =	sdelay $0x3  }
0x94: {  	_ =	strace s2  }
0x95: {  	s2 =	sld [smem:$0x3FFD];
	_ =	sdelay $0x3  }
0x96: {  	_ =	strace s2  }
0x97: {  	_ =	strace $0x8FFFFFFF  }
0x98: {  	s18 =	sld [smem:$0x3FDB];
	_ =	sdelay $0x1  }
0x99: {  	s19 =	simm.s32 $_scs_section_size  }
0x9a: {  	s4 =	simm.s32 $_size__tile_overlayer_lowered;
	s5 =	simm.s32 $_tile_overlayer_lowered  }
0x9b: {  	s22 =	simm.s32 $0x1BFF;
	s21 =	sshll.u32 s5, $0x1;
	s2 =	sadd.s32 s19, s18  }
0x9c: {  	s6 =	simm.s32 $0x0;
	s20 =	sshll.u32 s4, $0x1;
	s4 =	sadd.s32 s21, s2  }
0x9d: {  	[timem:s6], [sflag:s22] =	dma.local [hbm:s4], s20  }
0x9e: {  	_ =	swait.ge [sflag:s22], s20  }
0x9f: {  	s3 =	ssub.s32 $0x0, s20;
	[sflag:s22] =	ssyncset.done $0x0  }
0xa0: {  	[sflag:s22] =	ssyncadd.s32 s3;
	_ =	sdelay $0x1  }
0xa1: {  	s23 =	simm.s32 $0x1B8B  }
0xa2: {  	_ =	swait.ge [sflag:s23], $0x1  }
0xa3: {  	[sflag:s23] =	ssyncset.done $0x0  }
0xa4: {  	s25 =	simm.s32 $0x1B8E;
	s24 =	sld [smem:$0x3FFE];
	[sflag:s23] =	ssyncadd.s32 $0xFFFFFFFF  }
0xa5: {  	s26 =	simm.s32 $execute0_lowered;
	[smem:$0x3FD2] =	sst s25  }
0xa6: {  	s4 =	sshll.u32 s26, $0x1;
	_ =	strace $0x80000049;
	[dreg:$0x1] =	wrdreg $0xFFFFFFFF  }
0xa7: {  	s28 =	simm.s32 $_size_execute0_lowered;
	s2 =	sadd.s32 s2, s4;
	[dreg:$0x0] =	wrdreg $0x0  }
0xa8: {  	s4 =	sshll.u32 s28, $0x1;
	[dreg:$0x2] =	wrdreg s2  }
0xa9: {  	[dreg:$0x3] =	wrdreg s4  }
0xaa: {  	[dreg:$0x4] =	wrdreg $0xC0  }
0xab: {  	_ =	task [dreg:s6], $0x5FFFF  }
0xac: {  	[dreg:$0x1] =	wrdreg $0xFFFFFFFF  }
0xad: {  	[dreg:$0x0] =	wrdreg $0x60  }
0xae: {  	[dreg:$0x2] =	wrdreg s24  }
0xaf: {  	[dreg:$0x3] =	wrdreg $0xA8000  }
0xb0: {  	[dreg:$0x4] =	wrdreg $0x144400  }
0xb1: {  	[dreg:$0x5] =	wrdreg $0x9  }
0xb2: {  	_ =	task.clear_ibuf [dreg:s6], $0x6FFFF;
	_ =	strace $0x90000049  }
0xb3: {  	s29 =	simm.s32 $0x9;
	_ =	strace $0x8000004B  }
0xb4: {  	_ =	swait.ge [sflag:s29], $0x1  }
0xb5: {  	[sflag:s29] =	ssyncadd.s32 $0xFFFFFFFF  }
0xb6: {  	_ =	strace $0x9000004B  }
0xb7: {  	_ =	sfence  }
0xb8: {  	s30 =	sld [smem:$0x0];
	_ =	sdelay $0x2  }
0xb9: {  	s31 =	sshll.u32 s1, $0xD;
	s1 =	sshrl.u32 s1, $0x2  }
0xba: {  	s3 =	sand.u32 $0x4000, s31;
	s1 =	sadd.s32 s1, s30  }
0xbb: {  	s0 =	sor.u32 s3, s0;
	s1 =	sshll.u32 s1, $0x11  }
0xbc: {  	s0 =	sor.u32 s1, s0  }
0xbd: {  	s0 =	sadd.s32 $0x8F2B, s0  }
0xbe: {  	[sflag:s0] =	ssyncadd.remote.s32 $0x1  }
0xbf: {  	_ =	sfence.sel $0xFFFF  }
0xc0: {  	[dreg:$0x0] =	wrdreg $0xFFFFFFFF;
	(pc) =	sbr.abs _section_cstart, $3  }
0xc1: {  	[dreg:$0x1] =	wrdreg $0xFFFFFFFF  }
0xc2: {  	_ =	task.clear_ibuf [dreg:s6], $0x2FFFF;
	_ =	strace $0x9FFFFFFF  }
0xc3: {  	(tm) =	ssettm $0x7FFFFFFF  }
tec
execute0_lowered:
.L_overlay_start_1:
0x0: {  	(tag) =	ssettag $0x1  }
0x1: {  	s0 =	rddreg [dreg:$0x0]  }
0x2: {  	s1 =	srdreg.scid;
	s2 =	rddreg [dreg:$0x1]  }
0x3: {  	s11 =	stileid.u32;
	s3 =	rddreg [dreg:$0x2]  }
0x4: {  	s4 =	simm.s32 $0x0;
	s17 =	simm.s32 $0x3400;
	s28 =	simm.s32 $0x6800  }
0x5: {  	s29 =	simm.s32 $0x8800;
	s30 =	simm.s32 $0x4;
	s5 =	smul.u32 $0x13880, s11  }
0x6: {  	s31 =	simm.s32 $0x20;
	s1 =	sand.u32 $0x1, s1;
	s7 =	smul.u32 $0x13C00, s11  }
0x7: {  	[smem:$0x7FF] =	sst s4;
	s8 =	sadd.s32 $0x3D200, s0;
	s10 =	smul.u32 $0x27100, s11  }
0x8: {  	s12 =	smul.u32 $0x27800, s11;
	s6 =	sshll.u32 s1, $0x6;
	_ =	strace $0x8000004A  }
0x9: {  	[dreg:$0x4] =	wrdreg s8;
	s1 =	ssub.s32 $0x2, s1;
	s5 =	sor.u32 s6, s5  }
0xa: {  	s6 =	sor.u32 s6, s7;
	s7 =	smul.u32 $0x4E20, s11;
	s19 =	sshrl.u32 s1, $0x1  }
0xb: {  	s10 =	sshrl.u32 s10, $0x2;
	s11 =	sshll.u32 s11, $0x6;
	s23 =	sshrl.u32 s12, $0x2  }
0xc: {  	s5 =	sshrl.u32 s5, $0x3;
	s6 =	sshrl.u32 s6, $0x3;
	s1 =	ssub.s32 s1, s19  }
0xd: {  	s22 =	sadd.s32 s10, s2;
	s24 =	sor.u32 $0x1C01, s11;
	s19 =	simm.s32 $0x1  }
0xe: {  	s9 =	sadd.s32 s5, s0;
	s5 =	sadd.s32 $0x2600, s0;
	s0 =	sadd.s32 s6, s0  }
0xf: {  	s20 =	sshrl.u32 s7, $0x3;
	[dreg:$0x7] =	wrdreg s24;
	s16 =	smax.u32 s1, $0x1  }
0x10: {  	s18 =	sshrl.u32 s22, $0x3;
	s22 =	sor.u32 $0x1C02, s11;
	s9 =	sadd.s32 $0x16000, s9  }
0x11: {  	s8 =	sadd.s32 s5, s20;
	s0 =	sadd.s32 $0x3FA00, s0;
	[dreg:$0x6] =	wrdreg s9  }
0x12: {  	s24 =	simm.s32 $0x2;
	s21 =	sadd.s32 $0x9C40, s8;
	[dreg:$0xa] =	wrdreg s0  }
0x13: {  	s1 =	simm.s32 $0x0;
	s25 =	sadd.s32 $0x9C0, s8;
	[dreg:$0x5] =	wrdreg s21  }
0x14: {  	s20 =	simm.s32 $0x8;
	s26 =	sadd.s32 $0xA600, s8;
	[dreg:$0x8] =	wrdreg s25  }
0x15: {  	s9 =	sadd.s32 s23, s3;
	[dreg:$0x9] =	wrdreg s26;
	s21 =	simm.s32 $0x10  }
0x16: {  	s23 =	sshrl.u32 s9, $0x3;
	s25 =	simm.s32 $0x3;
	s26 =	simm.s32 $0x80  }
.LBB2_1:
0x17: {  	[tilespmem:s4], [sflag:$0x3] =	stream.linear.gather [hbm4b:s8+s4], $0x1A00, $0x38;
	[tilespmem:$0x1E240] =	vst v63  }
0x18: {  	s0 =	rddreg [dreg:$0x5]  }
0x19: {  	s15 =	rddreg [dreg:$0x6]  }
0x1a: {  	s6 =	rddreg [dreg:$0x7]  }
0x1b: {  	[tilespmem:s17], [sflag:$0x3] =	stream.linear.gather [hbm4b:s0+s4], $0x1A00, $0x38;
	[tilespmem:$0x1E240] =	vst v63  }
0x1c: {  	[spmem:s18@s20], [sflag:s6] =	dma.strided [hbm:s15@s21], $0x1388, s19, $0x8   }
0x1d: {  	s0 =	rddreg [dreg:$0x4]  }
0x1e: {  	[spmem:s23@s20], [sflag:s22] =	dma.strided [hbm:s0@s21], $0x13C0, s19, $0x8   }
0x1f: {  	_ =	swait.ge [sflag:s19], $0x1388  }
0x20: {  	[sflag:s19] =	ssyncset.done $0x0  }
0x21: {  	[sflag:s19] =	ssyncadd.s32 $0xFFFFEC78  }
0x22: {  	_ =	swait.ge [sflag:s24], $0x13C0  }
0x23: {  	[sflag:s24] =	ssyncset.done $0x0  }
0x24: {  	[sflag:s24] =	ssyncadd.s32 $0xFFFFEC40  }
0x25: {  	p0 =	por $0x0, $0x0;
	s0 =	simm.s32 $0x0;
	[bflag:$0x0] =	sbarrier.arrive $0xFFFF  }
.LBB2_2:
0x26: {  	_ =	swait.ge [sflag:s25], $0x1A00;
	s9 =	smov.u32 s0  }
0x27: {  	s10 =	sand.u32 $0x1, s0;
	s0 =	sadd.s32 $0x1, s0;
	[sflag:s25] =	ssyncset.done $0x0  }
0x28: {  	s6 =	smul.u32 $0x1A00, s10;
	p1 =	seq.s32 s9, $0x2;
	[sflag:s25] =	ssyncadd.s32 $0xFFFFE600  }
0x29: {  	s12 =	smul.u32 @!p1 $0x1A00, s0;
	_ =	swait.ge [sflag:s25], $0x1A00  }
0x2a: {  	s9 =	sxor.u32 @!p1 $0x1, s10;
	[sflag:s25] =	ssyncset.done $0x0  }
0x2b: {  	s15 =	sor.u32 $0x80, s6;
	s10 =	sadd.s32 @!p1 s7, s12;
	[sflag:s25] =	ssyncadd.s32 $0xFFFFE600  }
0x2c: {  	[tilespmem:s28], [sflag:$0x1] =	stream.indirect.gather [spmem:s2], $0x40, s6, s26, $0xb8;
	[tilespmem:$0x1E240] =	vst v63  }
0x2d: {  	s9 =	smul.u32 @!p1 $0x1A00, s9;
	s12 =	simm.s32 $0x1;
	s10 =	sshrl.u32 @!p1 s10, $0x3  }
0x2e: {  	[tilespmem:s29], [sflag:$0x2] =	stream.indirect.gather [spmem:s2], $0x40, s15, s26, $0xb8;
	[tilespmem:$0x1E240] =	vst v63  }
0x2f: {  	s13 =	simm.s32 @!p1 $0x0;
	s12 =	simm.s32 @!p0 $0x0;
	s10 =	sadd.s32 @!p1 s5, s10  }
0x30: {  	[tilespmem:s9], [sflag:$0x3] =	stream.linear.gather @!p1 [hbm4b:s10+s13], $0x1A00, $0x38;
	[tilespmem:$0x1E240] =	vst v63  }
0x31: {  	s12 =	smul.u32 $0x6800, s12;
	s9 =	sadd.s32 @!p1 $0x3400, s9;
	s10 =	sadd.s32 @!p1 $0x9C40, s10  }
0x32: {  	[tilespmem:s9], [sflag:$0x3] =	stream.linear.gather @!p1 [hbm4b:s10+s13], $0x1A00, $0x38;
	[tilespmem:$0x1E240] =	vst v63  }
0x33: {  	s9 =	sshrl.u32 s12, $0x2;
	_ =	swait.ge [sflag:s19], $0x2000  }
0x34: {  	s10 =	sadd.s32 $0x3400, s9;
	[sflag:s19] =	ssyncset.done $0x0  }
0x35: {  	s13 =	sadd.s32 $0x0, s10;
	[sflag:s19] =	ssyncadd.s32 $0xFFFFE000  }
0x36: {  	[spmem:s3] =	stream.indirect.scatter.add.f32 [tilespmem:s28], [sflag:$0x4], $0x40, s13, s26, $0xb8;
	[tilespmem:$0x1E240] =	vst v63  }
0x37: {  	_ =	swait.ge [sflag:s30], $0x2000  }
0x38: {  	s15 =	sadd.s32 $0x0, s9;
	[sflag:s30] =	ssyncset.done $0x0  }
0x39: {  	s14 =	sadd.s32 $0x100, s15;
	[sflag:s30] =	ssyncadd.s32 $0xFFFFE000  }
0x3a: {  	[tilespmem:s28], [sflag:$0x1] =	stream.indirect.gather [spmem:s2], $0x40, s14, s26, $0xb8;
	[tilespmem:$0x1E240] =	vst v63  }
0x3b: {  	_ =	swait.ge [sflag:s24], $0x2000  }
0x3c: {  	[sflag:s24] =	ssyncset.done $0x0  }
0x3d: {  	s12 =	sadd.s32 $0x80, s13;
	[sflag:s24] =	ssyncadd.s32 $0xFFFFE000  }
0x3e: {  	[spmem:s3] =	stream.indirect.scatter.add.f32 [tilespmem:s29], [sflag:$0x4], $0x40, s12, s26, $0xb8;
	[tilespmem:$0x1E240] =	vst v63  }
0x3f: {  	_ =	swait.ge [sflag:s30], $0x2000  }
0x40: {  	[sflag:s30] =	ssyncset.done $0x0  }
0x41: {  	s13 =	sadd.s32 $0x180, s15;
	s12 =	simm.s32 $0x400;
	[sflag:s30] =	ssyncadd.s32 $0xFFFFE000  }
.LBB2_3:
0x42: {  	[tilespmem:s29], [sflag:$0x2] =	stream.indirect.gather [spmem:s2], $0x40, s13, s26, $0xb8;
	[tilespmem:$0x1E240] =	vst v63  }
0x43: {  	s13 =	smov.u32 s12  }
0x44: {  	p1 =	sne.s32 s12, $0x6000;
	s12 =	sadd.s32 $0x400, s12;
	_ =	swait.ge [sflag:s19], $0x2000  }
0x45: {  	s13 =	sshra.s32 s13, $0x2;
	[sflag:s19] =	ssyncset.done $0x0  }
0x46: {  	s14 =	sadd.s32 s13, s10;
	s13 =	sadd.s32 s13, s9;
	[sflag:s19] =	ssyncadd.s32 $0xFFFFE000  }
0x47: {  	[spmem:s3] =	stream.indirect.scatter.add.f32 [tilespmem:s28], [sflag:$0x4], $0x40, s14, s26, $0xb8;
	[tilespmem:$0x1E240] =	vst v63  }
0x48: {  	_ =	swait.ge [sflag:s30], $0x2000  }
0x49: {  	[sflag:s30] =	ssyncset.done $0x0  }
0x4a: {  	s15 =	sadd.s32 $0x100, s13;
	[sflag:s30] =	ssyncadd.s32 $0xFFFFE000  }
0x4b: {  	[tilespmem:s28], [sflag:$0x1] =	stream.indirect.gather [spmem:s2], $0x40, s15, s26, $0xb8;
	[tilespmem:$0x1E240] =	vst v63  }
0x4c: {  	_ =	swait.ge [sflag:s24], $0x2000  }
0x4d: {  	[sflag:s24] =	ssyncset.done $0x0  }
.Ltmp0:
0x4e: {  	s14 =	sadd.s32 $0x80, s14;
	[sflag:s24] =	ssyncadd.s32 $0xFFFFE000;
	(pc) =	sbr.rel @p1 .LBB2_3-.Ltmp0, $4  }
0x4f: {  	[spmem:s3] =	stream.indirect.scatter.add.f32 [tilespmem:s29], [sflag:$0x4], $0x40, s14, s26, $0xb8;
	[tilespmem:$0x1E240] =	vst v63  }
0x50: {  	_ =	swait.ge [sflag:s30], $0x2000  }
0x51: {  	[sflag:s30] =	ssyncset.done $0x0  }
0x52: {  	s13 =	sadd.s32 $0x180, s13;
	[sflag:s30] =	ssyncadd.s32 $0xFFFFE000  }
0x53: {  	[tilespmem:s29], [sflag:$0x2] =	stream.indirect.gather [spmem:s2], $0x40, s13, s26, $0xb8;
	[tilespmem:$0x1E240] =	vst v63  }
0x54: {  	_ =	swait.ge [sflag:s19], $0x2000  }
0x55: {  	[sflag:s19] =	ssyncset.done $0x0  }
0x56: {  	s9 =	sadd.s32 $0x4D00, s6;
	[sflag:s19] =	ssyncadd.s32 $0xFFFFE000  }
0x57: {  	[spmem:s3] =	stream.indirect.scatter.add.f32 [tilespmem:s28], [sflag:$0x4], $0x40, s9, s26, $0xb8;
	[tilespmem:$0x1E240] =	vst v63  }
0x58: {  	_ =	swait.ge [sflag:s30], $0x2000  }
0x59: {  	[sflag:s30] =	ssyncset.done $0x0  }
0x5a: {  	[sflag:s30] =	ssyncadd.s32 $0xFFFFE000  }
0x5b: {  	_ =	swait.ge [sflag:s24], $0x2000  }
0x5c: {  	p1 =	sne.s32 s0, $0x3;
	[sflag:s24] =	ssyncset.done $0x0  }
.Ltmp1:
0x5d: {  	s15 =	sadd.s32 $0x4D80, s6;
	[sflag:s24] =	ssyncadd.s32 $0xFFFFE000;
	(pc) =	sbr.rel @p1 .LBB2_2-.Ltmp1, $4  }
0x5e: {  	[spmem:s3] =	stream.indirect.scatter.add.f32 [tilespmem:s29], [sflag:$0x4], $0x40, s15, s26, $0xb8;
	[tilespmem:$0x1E240] =	vst v63  }
0x5f: {  	_ =	swait.ge [sflag:s30], $0x2000  }
0x60: {  	[sflag:s30] =	ssyncset.done $0x0  }
0x61: {  	p0 =	por !p0, !p0;
	[sflag:s30] =	ssyncadd.s32 $0xFFFFE000  }
0x62: {  	s0 =	rddreg [dreg:$0x8]  }
0x63: {  	[tilespmem:s4], [sflag:$0x4] =	stream.linear.gather [hbm4b:s0+s4], $0x20, $0x38;
	[tilespmem:$0x1E240] =	vst v63  }
0x64: {  	_ =	swait.ge [sflag:s30], $0x20  }
0x65: {  	[sflag:s30] =	ssyncset.done $0x0  }
0x66: {  	s14 =	rddreg [dreg:$0x9];
	[sflag:s30] =	ssyncadd.s32 $0xFFFFFFE0  }
0x67: {  	[tilespmem:s17], [sflag:$0x4] =	stream.linear.gather [hbm4b:s14+s4], $0x20, $0x38;
	[tilespmem:$0x1E240] =	vst v63  }
0x68: {  	_ =	swait.ge [sflag:s30], $0x20  }
0x69: {  	[sflag:s30] =	ssyncset.done $0x0  }
0x6a: {  	[sflag:s30] =	ssyncadd.s32 $0xFFFFFFE0  }
0x6b: {  	[tilespmem:s28], [sflag:$0x4] =	stream.indirect.gather [spmem:s2], $0x40, s4, s31, $0xb8;
	[tilespmem:$0x1E240] =	vst v63  }
0x6c: {  	_ =	swait.ge [sflag:s30], $0x800  }
0x6d: {  	[sflag:s30] =	ssyncset.done $0x0  }
0x6e: {  	[sflag:s30] =	ssyncadd.s32 $0xFFFFF800  }
0x6f: {  	[spmem:s3] =	stream.indirect.scatter.add.f32 [tilespmem:s28], [sflag:$0x4], $0x40, s17, s31, $0xb8;
	[tilespmem:$0x1E240] =	vst v63  }
0x70: {  	_ =	swait.ge [sflag:s30], $0x800  }
0x71: {  	[sflag:s30] =	ssyncset.done $0x0  }
0x72: {  	s1 =	sadd.s32 $0x1, s1;
	[sflag:s30] =	ssyncadd.s32 $0xFFFFF800  }
0x73: {  	p0 =	sne.s32 s1, s16;
	[bflag:$0x0] =	sbarrier.arrive $0xFFFF  }
.Ltmp2:
0x74: {  	s15 =	sor.u32 $0x1C04, s11;
	s6 =	rddreg [dreg:$0xa];
	(pc) =	sbr.rel @p0 .LBB2_1-.Ltmp2, $4  }
0x75: {  	[hbm:s6@s21], [sflag:s15] =	dma.strided [spmem:s23@s20], $0x13C0, s19, $0x8   }
0x76: {  	_ =	swait.ge [sflag:s30], $0x13C0  }
0x77: {  	[sflag:s30] =	ssyncset.done $0x0  }
0x78: {  	[sflag:s30] =	ssyncadd.s32 $0xFFFFEC40  }
0x79: {  	_ =	sfence.sel $0x180000  }
0x7a: {  	[bflag:$0x0] =	sbarrier.arrive $0xFFFF  }
0x7b: {  	_ =	strace $0x9000004A  }
0x7c: {  	s0 =	stileid.u32;
	[bflag:$0x2] =	sbarrier.arrive $0xFFFF  }
0x7d: {  	p0 =	sne.s32 s0, $0x0;
	s0 =	rddreg [dreg:$0x3]  }
0x7e: {  	s0 =	sadd.s32 @!p0 $0x100000, s0  }
0x7f: {  	[sflag:s0] =	ssyncadd.tile.s32 @!p0 $0x1;
	_ =	shalt  }
.Lfunc_end2:
_tile_overlayer_lowered:
.L_overlay_start_2:
0x80: {  	(tag) =	ssettag $0x2  }
0x81: {  	s0 =	rddreg [dreg:$0x0];
	s2 =	stileid.u32  }
0x82: {  	s1 =	rddreg [dreg:$0x1];
	p0 =	sne.s32 s2, $0x0  }
0x83: {  	s3 =	rddreg [dreg:$0x2];
	[bflag:$0x3] =	sbarrier.arrive $0xFFFF;
	s2 =	simm.s32 @!p0 $0x1C04  }
0x84: {  	[timem:s3], [sflag:s2] =	dma.local @!p0 [hbm:s0], s1  }
0x85: {  	s0 =	simm.s32 @!p0 $0x4  }
0x86: {  	_ =	swait.ge @!p0 [sflag:s0], s1  }
0x87: {  	s1 =	ssub.s32 @!p0 $0x0, s1;
	[sflag:s0] =	ssyncset.done @!p0 $0x0  }
0x88: {  	[sflag:s0] =	ssyncadd.s32 @!p0 s1  }
0x89: {  	[bflag:$0x3] =	sbarrier.arrive $0xFFFF  }
0x8a: {  	_ =	shalt  }

</sc_bundles>
